<compile_context>
chip_gen: v7x
topology: tpu7x:2x2x1
jax: 0.10.2.dev20260603
libtpu: 0.0.44.dev20260713+nightly
codegen_flags: <defaults>
</compile_context>

<pallas_src>
import functools

import jax
import jax.numpy as jnp
from jax import lax
from jax.experimental import pallas as pl
from jax.experimental.pallas import tpu as pltpu
from jax.experimental.pallas import tpu_sc as plsc

_H = 128
_NMOL = 1024
_N_PAD = 114688
_BLK = 57344
_ROWS = _N_PAD // 128
_W = 16
_RPW = _ROWS // _W


def _tc_body(n_atoms, z_ref, posT_ref, tabT_ref, wo_ref, y_ref):
    zb = z_ref[...][None, :]
    row = lax.broadcasted_iota(jnp.int32, (_H, _BLK), 0)
    ohT = (zb == row).astype(jnp.bfloat16)
    rhs = jnp.concatenate([ohT, posT_ref[...]], axis=0)
    xT = jnp.dot(tabT_ref[...], rhs, preferred_element_type=jnp.float32)
    yT = jnp.sum(jnp.tanh(xT) * wo_ref[...], axis=0,
                 keepdims=True)
    gidx = (pl.program_id(0) * _BLK
            + lax.broadcasted_iota(jnp.int32, (1, _BLK), 1))
    y_ref[0] = jnp.where(gidx < n_atoms, yT, 0.0)


def _tc_stage(z1, posT8, tabT2, wo):
    grid = (_N_PAD // _BLK,)
    return pl.pallas_call(
        functools.partial(_tc_body, z1.shape[0]),
        grid=grid,
        in_specs=[
            pl.BlockSpec((_BLK,), lambda i: (i,)),
            pl.BlockSpec((8, _BLK), lambda i: (0, i)),
            pl.BlockSpec((_H, _H + 8), lambda i: (0, 0)),
            pl.BlockSpec((_H, 1), lambda i: (0, 0)),
        ],
        out_specs=pl.BlockSpec((1, 1, _BLK), lambda i: (i, 0, 0)),
        out_shape=jax.ShapeDtypeStruct(
            (_N_PAD // _BLK, 1, _BLK), jnp.float32),
    )(z1, posT8, tabT2, wo)


@functools.lru_cache(maxsize=None)
def _sc_scatter():
    npw = 128

    @functools.partial(
        pl.kernel,
        out_type=jax.ShapeDtypeStruct((_NMOL,), jnp.float32),
        mesh=plsc.VectorSubcoreMesh(
            core_axis_name="c", subcore_axis_name="s",
            num_cores=1, num_subcores=_W),
        scratch_types=[
            pltpu.VMEM((_RPW * 128,), jnp.float32),
            pltpu.VMEM((_RPW * 128,), jnp.int32),
            pltpu.VMEM((16 * _NMOL,), jnp.float32),
            pltpu.VMEM((_NMOL,), jnp.float32),
            pltpu.VMEM((16, npw), jnp.float32),
            pltpu.VMEM((npw,), jnp.float32),
            pltpu.VMEM_SHARED((_W, _NMOL), jnp.float32),
            pltpu.SemaphoreType.DMA,
        ],
        compiler_params=pltpu.CompilerParams(needs_layout_passes=False),
    )
    def body(y_hbm, b_hbm, out_hbm, y_v, idx_v, acc, red, colblk, fin,
             stage, sem):
        wid = lax.axis_index("s")
        base = wid * (_RPW * 128)
        d1 = pltpu.async_copy(y_hbm.at[pl.ds(base, _RPW * 128)], y_v, sem)
        d2 = pltpu.async_copy(b_hbm.at[pl.ds(base, _RPW * 128)], idx_v,
                              sem)

        zero16 = jnp.zeros((16,), jnp.float32)

        def _zstore(i, c):
            for u in range(16):
                acc[pl.ds(i * 256 + u * 16, 16)] = zero16
            return c
        lax.fori_loop(0, _NMOL // 16, _zstore, 0)
        d1.wait()
        d2.wait()

        laneoff = lax.iota(jnp.int32, 16) * _NMOL
        full = jnp.ones((16,), jnp.bool_)

        def _row(r, c):
            addrs = [idx_v[pl.ds(r * 128 + cc * 16, 16)] + laneoff
                     for cc in range(8)]
            valss = [y_v[pl.ds(r * 128 + cc * 16, 16)] for cc in range(8)]
            for cc in range(8):
                plsc.addupdate_scatter(acc, [addrs[cc]], valss[cc],
                                       mask=full)
            return c
        lax.fori_loop(0, _RPW, _row, 0)

        def _lred(j, c):
            for u in range(2):
                o = j * 32 + u * 16
                s = acc[pl.ds(o, 16)]
                for l in range(1, 16):
                    s = s + acc[pl.ds(l * _NMOL + o, 16)]
                red[pl.ds(o, 16)] = s
            return c
        lax.fori_loop(0, _NMOL // 32, _lred, 0)

        pltpu.sync_copy(red, stage.at[wid])
        plsc.subcore_barrier()

        @pl.when(wid < _NMOL // npw)
        def _():
            pltpu.sync_copy(stage.at[:, pl.ds(wid * npw, npw)], colblk)
            for k in range(npw // 16):
                s = colblk[0, pl.ds(k * 16, 16)]
                for r in range(1, 16):
                    s = s + colblk[r, pl.ds(k * 16, 16)]
                fin[pl.ds(k * 16, 16)] = s
            pltpu.sync_copy(fin, out_hbm.at[pl.ds(wid * npw, npw)])

    return body


def kernel(z, pos, batch, embed, Wp, Wo):
    n = z.shape[0]
    pad = _N_PAD - n
    posT8 = jnp.pad(pos.astype(jnp.bfloat16).T,
                    ((0, 5), (0, pad)))
    b1 = jnp.pad(batch, (0, pad))
    tabT2 = jnp.concatenate(
        [jnp.pad(embed, ((0, _H - embed.shape[0]), (0, 0))).T,
         Wp.T, jnp.zeros((_H, 5), jnp.float32)],
        axis=1).astype(jnp.bfloat16)

    y = _tc_stage(z, posT8, tabT2, Wo)
    out = _sc_scatter()(y.reshape(_N_PAD), b1)
    return out.reshape(_NMOL, 1)

# --- scband reference (transcript-rebuilt; emitter-appended) ---
"""Pipeline reference for scband-torch-md-net-62045097558496 (READ-ONLY COPY).

The authoritative reference and input builder live on the scoring server;
editing this copy changes nothing except your own understanding.
"""

import jax, jax.numpy as jnp
import numpy as np

N = 100000      # atoms
H = 128         # hidden channels
NUM_Z = 100     # atomic number vocab
NUM_MOL = 1024  # molecules per batch


def setup_inputs(seed: int = 0) -> dict:
    key = jax.random.key(seed)
    k1, k2, k3, k4, k5, k6 = jax.random.split(key, 6)
    z = jax.random.randint(k1, (N,), 0, NUM_Z)
    pos = jax.random.normal(k2, (N, 3), dtype=jnp.float32)
    batch = jnp.sort(jax.random.randint(k3, (N,), 0, NUM_MOL))
    # learned params for stand-in representation/output models
    embed = jax.random.normal(k4, (NUM_Z, H), dtype=jnp.float32) * 0.1
    Wp = jax.random.normal(k5, (3, H), dtype=jnp.float32) * 0.1
    Wo = jax.random.normal(k6, (H, 1), dtype=jnp.float32) * 0.1
    return {"z": z, "pos": pos, "batch": batch, "embed": embed, "Wp": Wp, "Wo": Wo}


def reference(z, pos, batch, embed, Wp, Wo):
    # representation_model: per-atom features via embedding gather + linear on pos
    x = jnp.take(embed, z, axis=0) + pos @ Wp            # [N, H]
    # output_model.pre_reduce: per-atom scalar head
    x = jnp.tanh(x) @ Wo                                  # [N, 1]
    # x = x * std  (std buffer defaults to 1.0)
    x = x * 1.0
    # scatter(x, batch, dim=0, reduce='add') -> per-molecule energy
    out = jax.ops.segment_sum(x, batch, num_segments=NUM_MOL)  # [NUM_MOL, 1]
    # out = out + mean  (mean buffer defaults to 0.0); post_reduce = identity
    out = out + 0.0
    return out

if __name__ == "__main__":
    import jax
    _d = setup_inputs()
    print(jax.jit(kernel)(*tuple(_d.values())))

</pallas_src>

<mosaic_0001>
#map = affine_map<(d0, d1) -> (0)>
module attributes {stable_mosaic.version = 14 : i64} {
  func.func @body(%arg0: i32, %arg1: i32, %arg2: memref<114688xf32, #tpu.memory_space<hbm>>, %arg3: memref<114688xi32, #tpu.memory_space<hbm>>, %arg4: memref<1024xf32, #tpu.memory_space<hbm>>, %arg5: memref<7168xf32, #tpu.memory_space<vmem>>, %arg6: memref<7168xi32, #tpu.memory_space<vmem>>, %arg7: memref<16384xf32, #tpu.memory_space<vmem>>, %arg8: memref<1024xf32, #tpu.memory_space<vmem>>, %arg9: memref<16x128xf32, #tpu.memory_space<vmem>>, %arg10: memref<128xf32, #tpu.memory_space<vmem>>, %arg11: memref<16x1024xf32, #tpu.memory_space<vmem_shared>>, %arg12: memref<!tpu.dma_semaphore, #tpu.memory_space<semaphore_mem>>) attributes {dimension_semantics = [#tpu.dimension_semantics<core_parallel>, #tpu.dimension_semantics<subcore_parallel>], iteration_bounds = array<i64: 1, 16>, scalar_prefetch = 0 : i64, scratch_operands = 8 : i64, tpu.core_type = #tpu.core_type<sc_vector_subcore>, window_params = [{transform_indices = #map}, {transform_indices = #map}, {transform_indices = #map}]} {
    %mul3A = arith.constant 7168 : i32
    %mul3A_0 = arith.muli %arg1, %mul3A : i32
    %dma_start3A = tpu.memref_slice %arg2[%mul3A_0] : memref<114688xf32, #tpu.memory_space<hbm>> -> memref<7168xf32, #tpu.memory_space<hbm>>
    %dma_start3A_1 = tpu.memref_slice %arg2[%mul3A_0] : memref<114688xf32, #tpu.memory_space<hbm>> -> memref<7168xf32, #tpu.memory_space<hbm>>
    tpu.enqueue_dma source(%dma_start3A_1 : memref<7168xf32, #tpu.memory_space<hbm>>) target(%arg5 : memref<7168xf32, #tpu.memory_space<vmem>>) target_semaphore(%arg12 : memref<!tpu.dma_semaphore, #tpu.memory_space<semaphore_mem>>)
    %dma_start3A_2 = tpu.memref_slice %arg3[%mul3A_0] : memref<114688xi32, #tpu.memory_space<hbm>> -> memref<7168xi32, #tpu.memory_space<hbm>>
    %dma_start3A_3 = tpu.memref_slice %arg3[%mul3A_0] : memref<114688xi32, #tpu.memory_space<hbm>> -> memref<7168xi32, #tpu.memory_space<hbm>>
    tpu.enqueue_dma source(%dma_start3A_3 : memref<7168xi32, #tpu.memory_space<hbm>>) target(%arg6 : memref<7168xi32, #tpu.memory_space<vmem>>) target_semaphore(%arg12 : memref<!tpu.dma_semaphore, #tpu.memory_space<semaphore_mem>>)
    %broadcast_in_dim3A = arith.constant 0.000000e+00 : f32
    %broadcast_in_dim3A_4 = vector.broadcast %broadcast_in_dim3A : f32 to vector<16xf32>
    %scan3A = arith.constant 0 : i32
    %scan3A_5 = arith.constant 0 : i32
    %scan3A_6 = arith.constant 64 : i32
    %scan3A_7 = arith.addi %scan3A_5, %scan3A_6 : i32
    %scan3A_8 = arith.constant 1 : i32
    scf.for %scan3A_32 = %scan3A_5 to %scan3A_7 step %scan3A_8  : i32 {
      %mul3A_33 = arith.constant 256 : i32
      %mul3A_34 = arith.muli %scan3A_32, %mul3A_33 : i32
      %add3A = arith.constant 0 : i32
      %add3A_35 = arith.addi %mul3A_34, %add3A : i32
      %swap3A = arith.index_cast %add3A_35 : i32 to index
      %swap3A_36 = tpu.vector_load %arg7[%swap3A] {strides = array<i32>} : memref<16384xf32, #tpu.memory_space<vmem>>, vector<16xf32>,
      tpu.vector_store %arg7[%swap3A], %broadcast_in_dim3A_4 {strides = array<i32>} : memref<16384xf32, #tpu.memory_space<vmem>>, vector<16xf32>,
      %mul3A_37 = arith.constant 256 : i32
      %mul3A_38 = arith.muli %scan3A_32, %mul3A_37 : i32
      %add3A_39 = arith.constant 16 : i32
      %add3A_40 = arith.addi %mul3A_38, %add3A_39 : i32
      %swap3A_41 = arith.index_cast %add3A_40 : i32 to index
      %swap3A_42 = tpu.vector_load %arg7[%swap3A_41] {strides = array<i32>} : memref<16384xf32, #tpu.memory_space<vmem>>, vector<16xf32>,
      tpu.vector_store %arg7[%swap3A_41], %broadcast_in_dim3A_4 {strides = array<i32>} : memref<16384xf32, #tpu.memory_space<vmem>>, vector<16xf32>,
      %mul3A_43 = arith.constant 256 : i32
      %mul3A_44 = arith.muli %scan3A_32, %mul3A_43 : i32
      %add3A_45 = arith.constant 32 : i32
      %add3A_46 = arith.addi %mul3A_44, %add3A_45 : i32
      %swap3A_47 = arith.index_cast %add3A_46 : i32 to index
      %swap3A_48 = tpu.vector_load %arg7[%swap3A_47] {strides = array<i32>} : memref<16384xf32, #tpu.memory_space<vmem>>, vector<16xf32>,
      tpu.vector_store %arg7[%swap3A_47], %broadcast_in_dim3A_4 {strides = array<i32>} : memref<16384xf32, #tpu.memory_space<vmem>>, vector<16xf32>,
      %mul3A_49 = arith.constant 256 : i32
      %mul3A_50 = arith.muli %scan3A_32, %mul3A_49 : i32
      %add3A_51 = arith.constant 48 : i32
      %add3A_52 = arith.addi %mul3A_50, %add3A_51 : i32
      %swap3A_53 = arith.index_cast %add3A_52 : i32 to index
      %swap3A_54 = tpu.vector_load %arg7[%swap3A_53] {strides = array<i32>} : memref<16384xf32, #tpu.memory_space<vmem>>, vector<16xf32>,
      tpu.vector_store %arg7[%swap3A_53], %broadcast_in_dim3A_4 {strides = array<i32>} : memref<16384xf32, #tpu.memory_space<vmem>>, vector<16xf32>,
      %mul3A_55 = arith.constant 256 : i32
      %mul3A_56 = arith.muli %scan3A_32, %mul3A_55 : i32
      %add3A_57 = arith.constant 64 : i32
      %add3A_58 = arith.addi %mul3A_56, %add3A_57 : i32
      %swap3A_59 = arith.index_cast %add3A_58 : i32 to index
      %swap3A_60 = tpu.vector_load %arg7[%swap3A_59] {strides = array<i32>} : memref<16384xf32, #tpu.memory_space<vmem>>, vector<16xf32>,
      tpu.vector_store %arg7[%swap3A_59], %broadcast_in_dim3A_4 {strides = array<i32>} : memref<16384xf32, #tpu.memory_space<vmem>>, vector<16xf32>,
      %mul3A_61 = arith.constant 256 : i32
      %mul3A_62 = arith.muli %scan3A_32, %mul3A_61 : i32
      %add3A_63 = arith.constant 80 : i32
      %add3A_64 = arith.addi %mul3A_62, %add3A_63 : i32
      %swap3A_65 = arith.index_cast %add3A_64 : i32 to index
      %swap3A_66 = tpu.vector_load %arg7[%swap3A_65] {strides = array<i32>} : memref<16384xf32, #tpu.memory_space<vmem>>, vector<16xf32>,
      tpu.vector_store %arg7[%swap3A_65], %broadcast_in_dim3A_4 {strides = array<i32>} : memref<16384xf32, #tpu.memory_space<vmem>>, vector<16xf32>,
      %mul3A_67 = arith.constant 256 : i32
      %mul3A_68 = arith.muli %scan3A_32, %mul3A_67 : i32
      %add3A_69 = arith.constant 96 : i32
      %add3A_70 = arith.addi %mul3A_68, %add3A_69 : i32
      %swap3A_71 = arith.index_cast %add3A_70 : i32 to index
      %swap3A_72 = tpu.vector_load %arg7[%swap3A_71] {strides = array<i32>} : memref<16384xf32, #tpu.memory_space<vmem>>, vector<16xf32>,
      tpu.vector_store %arg7[%swap3A_71], %broadcast_in_dim3A_4 {strides = array<i32>} : memref<16384xf32, #tpu.memory_space<vmem>>, vector<16xf32>,
      %mul3A_73 = arith.constant 256 : i32
      %mul3A_74 = arith.muli %scan3A_32, %mul3A_73 : i32
      %add3A_75 = arith.constant 112 : i32
      %add3A_76 = arith.addi %mul3A_74, %add3A_75 : i32
      %swap3A_77 = arith.index_cast %add3A_76 : i32 to index
      %swap3A_78 = tpu.vector_load %arg7[%swap3A_77] {strides = array<i32>} : memref<16384xf32, #tpu.memory_space<vmem>>, vector<16xf32>,
      tpu.vector_store %arg7[%swap3A_77], %broadcast_in_dim3A_4 {strides = array<i32>} : memref<16384xf32, #tpu.memory_space<vmem>>, vector<16xf32>,
      %mul3A_79 = arith.constant 256 : i32
      %mul3A_80 = arith.muli %scan3A_32, %mul3A_79 : i32
      %add3A_81 = arith.constant 128 : i32
      %add3A_82 = arith.addi %mul3A_80, %add3A_81 : i32
      %swap3A_83 = arith.index_cast %add3A_82 : i32 to index
      %swap3A_84 = tpu.vector_load %arg7[%swap3A_83] {strides = array<i32>} : memref<16384xf32, #tpu.memory_space<vmem>>, vector<16xf32>,
      tpu.vector_store %arg7[%swap3A_83], %broadcast_in_dim3A_4 {strides = array<i32>} : memref<16384xf32, #tpu.memory_space<vmem>>, vector<16xf32>,
      %mul3A_85 = arith.constant 256 : i32
      %mul3A_86 = arith.muli %scan3A_32, %mul3A_85 : i32
      %add3A_87 = arith.constant 144 : i32
      %add3A_88 = arith.addi %mul3A_86, %add3A_87 : i32
      %swap3A_89 = arith.index_cast %add3A_88 : i32 to index
      %swap3A_90 = tpu.vector_load %arg7[%swap3A_89] {strides = array<i32>} : memref<16384xf32, #tpu.memory_space<vmem>>, vector<16xf32>,
      tpu.vector_store %arg7[%swap3A_89], %broadcast_in_dim3A_4 {strides = array<i32>} : memref<16384xf32, #tpu.memory_space<vmem>>, vector<16xf32>,
      %mul3A_91 = arith.constant 256 : i32
      %mul3A_92 = arith.muli %scan3A_32, %mul3A_91 : i32
      %add3A_93 = arith.constant 160 : i32
      %add3A_94 = arith.addi %mul3A_92, %add3A_93 : i32
      %swap3A_95 = arith.index_cast %add3A_94 : i32 to index
      %swap3A_96 = tpu.vector_load %arg7[%swap3A_95] {strides = array<i32>} : memref<16384xf32, #tpu.memory_space<vmem>>, vector<16xf32>,
      tpu.vector_store %arg7[%swap3A_95], %broadcast_in_dim3A_4 {strides = array<i32>} : memref<16384xf32, #tpu.memory_space<vmem>>, vector<16xf32>,
      %mul3A_97 = arith.constant 256 : i32
      %mul3A_98 = arith.muli %scan3A_32, %mul3A_97 : i32
      %add3A_99 = arith.constant 176 : i32
      %add3A_100 = arith.addi %mul3A_98, %add3A_99 : i32
      %swap3A_101 = arith.index_cast %add3A_100 : i32 to index
      %swap3A_102 = tpu.vector_load %arg7[%swap3A_101] {strides = array<i32>} : memref<16384xf32, #tpu.memory_space<vmem>>, vector<16xf32>,
      tpu.vector_store %arg7[%swap3A_101], %broadcast_in_dim3A_4 {strides = array<i32>} : memref<16384xf32, #tpu.memory_space<vmem>>, vector<16xf32>,
      %mul3A_103 = arith.constant 256 : i32
      %mul3A_104 = arith.muli %scan3A_32, %mul3A_103 : i32
      %add3A_105 = arith.constant 192 : i32
      %add3A_106 = arith.addi %mul3A_104, %add3A_105 : i32
      %swap3A_107 = arith.index_cast %add3A_106 : i32 to index
      %swap3A_108 = tpu.vector_load %arg7[%swap3A_107] {strides = array<i32>} : memref<16384xf32, #tpu.memory_space<vmem>>, vector<16xf32>,
      tpu.vector_store %arg7[%swap3A_107], %broadcast_in_dim3A_4 {strides = array<i32>} : memref<16384xf32, #tpu.memory_space<vmem>>, vector<16xf32>,
      %mul3A_109 = arith.constant 256 : i32
      %mul3A_110 = arith.muli %scan3A_32, %mul3A_109 : i32
      %add3A_111 = arith.constant 208 : i32
      %add3A_112 = arith.addi %mul3A_110, %add3A_111 : i32
      %swap3A_113 = arith.index_cast %add3A_112 : i32 to index
      %swap3A_114 = tpu.vector_load %arg7[%swap3A_113] {strides = array<i32>} : memref<16384xf32, #tpu.memory_space<vmem>>, vector<16xf32>,
      tpu.vector_store %arg7[%swap3A_113], %broadcast_in_dim3A_4 {strides = array<i32>} : memref<16384xf32, #tpu.memory_space<vmem>>, vector<16xf32>,
      %mul3A_115 = arith.constant 256 : i32
      %mul3A_116 = arith.muli %scan3A_32, %mul3A_115 : i32
      %add3A_117 = arith.constant 224 : i32
      %add3A_118 = arith.addi %mul3A_116, %add3A_117 : i32
      %swap3A_119 = arith.index_cast %add3A_118 : i32 to index
      %swap3A_120 = tpu.vector_load %arg7[%swap3A_119] {strides = array<i32>} : memref<16384xf32, #tpu.memory_space<vmem>>, vector<16xf32>,
      tpu.vector_store %arg7[%swap3A_119], %broadcast_in_dim3A_4 {strides = array<i32>} : memref<16384xf32, #tpu.memory_space<vmem>>, vector<16xf32>,
      %mul3A_121 = arith.constant 256 : i32
      %mul3A_122 = arith.muli %scan3A_32, %mul3A_121 : i32
      %add3A_123 = arith.constant 240 : i32
      %add3A_124 = arith.addi %mul3A_122, %add3A_123 : i32
      %swap3A_125 = arith.index_cast %add3A_124 : i32 to index
      %swap3A_126 = tpu.vector_load %arg7[%swap3A_125] {strides = array<i32>} : memref<16384xf32, #tpu.memory_space<vmem>>, vector<16xf32>,
      tpu.vector_store %arg7[%swap3A_125], %broadcast_in_dim3A_4 {strides = array<i32>} : memref<16384xf32, #tpu.memory_space<vmem>>, vector<16xf32>,
    }
    %scan3A_9 = arith.constant 64 : i32
    %dma_wait3A = tpu.memref_slice %arg2[%mul3A_0] : memref<114688xf32, #tpu.memory_space<hbm>> -> memref<7168xf32, #tpu.memory_space<hbm>>
    %dma_wait3A_10 = tpu.memref_slice %arg2[%mul3A_0] : memref<114688xf32, #tpu.memory_space<hbm>> -> memref<7168xf32, #tpu.memory_space<hbm>>
    tpu.wait_dma2 semaphore(%arg12 : memref<!tpu.dma_semaphore, #tpu.memory_space<semaphore_mem>>) src(%dma_wait3A_10 : memref<7168xf32, #tpu.memory_space<hbm>>) dst(%arg5 : memref<7168xf32, #tpu.memory_space<vmem>>)
    %dma_wait3A_11 = tpu.memref_slice %arg3[%mul3A_0] : memref<114688xi32, #tpu.memory_space<hbm>> -> memref<7168xi32, #tpu.memory_space<hbm>>
    %dma_wait3A_12 = tpu.memref_slice %arg3[%mul3A_0] : memref<114688xi32, #tpu.memory_space<hbm>> -> memref<7168xi32, #tpu.memory_space<hbm>>
    tpu.wait_dma2 semaphore(%arg12 : memref<!tpu.dma_semaphore, #tpu.memory_space<semaphore_mem>>) src(%dma_wait3A_12 : memref<7168xi32, #tpu.memory_space<hbm>>) dst(%arg6 : memref<7168xi32, #tpu.memory_space<vmem>>)
    %iota3A = tpu.iota {dimensions = array<i32: 0>} : vector<16xi32>
    %mul3A_13 = arith.constant 1024 : i32
    %mul3A_14 = vector.broadcast %mul3A_13 : i32 to vector<16xi32>
    %mul3A_15 = arith.muli %iota3A, %mul3A_14 : vector<16xi32>
    %broadcast_in_dim3A_16 = arith.constant true
    %broadcast_in_dim3A_17 = vector.broadcast %broadcast_in_dim3A_16 : i1 to vector<16xi1>
    %scan3A_18 = arith.constant 0 : i32
    %scan3A_19 = arith.constant 0 : i32
    %scan3A_20 = arith.constant 56 : i32
    %scan3A_21 = arith.addi %scan3A_19, %scan3A_20 : i32
    %scan3A_22 = arith.constant 1 : i32
    scf.for %scan3A_32 = %scan3A_19 to %scan3A_21 step %scan3A_22  : i32 {
      %mul3A_33 = arith.constant 128 : i32
      %mul3A_34 = arith.muli %scan3A_32, %mul3A_33 : i32
      %add3A = arith.constant 0 : i32
      %add3A_35 = arith.addi %mul3A_34, %add3A : i32
      %get3A = arith.index_cast %add3A_35 : i32 to index
      %get3A_36 = tpu.vector_load %arg6[%get3A] {strides = array<i32>} : memref<7168xi32, #tpu.memory_space<vmem>>, vector<16xi32>,
      %add3A_37 = arith.addi %get3A_36, %mul3A_15 : vector<16xi32>
      %mul3A_38 = arith.constant 128 : i32
      %mul3A_39 = arith.muli %scan3A_32, %mul3A_38 : i32
      %add3A_40 = arith.constant 16 : i32
      %add3A_41 = arith.addi %mul3A_39, %add3A_40 : i32
      %get3A_42 = arith.index_cast %add3A_41 : i32 to index
      %get3A_43 = tpu.vector_load %arg6[%get3A_42] {strides = array<i32>} : memref<7168xi32, #tpu.memory_space<vmem>>, vector<16xi32>,
      %add3A_44 = arith.addi %get3A_43, %mul3A_15 : vector<16xi32>
      %mul3A_45 = arith.constant 128 : i32
      %mul3A_46 = arith.muli %scan3A_32, %mul3A_45 : i32
      %add3A_47 = arith.constant 32 : i32
      %add3A_48 = arith.addi %mul3A_46, %add3A_47 : i32
      %get3A_49 = arith.index_cast %add3A_48 : i32 to index
      %get3A_50 = tpu.vector_load %arg6[%get3A_49] {strides = array<i32>} : memref<7168xi32, #tpu.memory_space<vmem>>, vector<16xi32>,
      %add3A_51 = arith.addi %get3A_50, %mul3A_15 : vector<16xi32>
      %mul3A_52 = arith.constant 128 : i32
      %mul3A_53 = arith.muli %scan3A_32, %mul3A_52 : i32
      %add3A_54 = arith.constant 48 : i32
      %add3A_55 = arith.addi %mul3A_53, %add3A_54 : i32
      %get3A_56 = arith.index_cast %add3A_55 : i32 to index
      %get3A_57 = tpu.vector_load %arg6[%get3A_56] {strides = array<i32>} : memref<7168xi32, #tpu.memory_space<vmem>>, vector<16xi32>,
      %add3A_58 = arith.addi %get3A_57, %mul3A_15 : vector<16xi32>
      %mul3A_59 = arith.constant 128 : i32
      %mul3A_60 = arith.muli %scan3A_32, %mul3A_59 : i32
      %add3A_61 = arith.constant 64 : i32
      %add3A_62 = arith.addi %mul3A_60, %add3A_61 : i32
      %get3A_63 = arith.index_cast %add3A_62 : i32 to index
      %get3A_64 = tpu.vector_load %arg6[%get3A_63] {strides = array<i32>} : memref<7168xi32, #tpu.memory_space<vmem>>, vector<16xi32>,
      %add3A_65 = arith.addi %get3A_64, %mul3A_15 : vector<16xi32>
      %mul3A_66 = arith.constant 128 : i32
      %mul3A_67 = arith.muli %scan3A_32, %mul3A_66 : i32
      %add3A_68 = arith.constant 80 : i32
      %add3A_69 = arith.addi %mul3A_67, %add3A_68 : i32
      %get3A_70 = arith.index_cast %add3A_69 : i32 to index
      %get3A_71 = tpu.vector_load %arg6[%get3A_70] {strides = array<i32>} : memref<7168xi32, #tpu.memory_space<vmem>>, vector<16xi32>,
      %add3A_72 = arith.addi %get3A_71, %mul3A_15 : vector<16xi32>
      %mul3A_73 = arith.constant 128 : i32
      %mul3A_74 = arith.muli %scan3A_32, %mul3A_73 : i32
      %add3A_75 = arith.constant 96 : i32
      %add3A_76 = arith.addi %mul3A_74, %add3A_75 : i32
      %get3A_77 = arith.index_cast %add3A_76 : i32 to index
      %get3A_78 = tpu.vector_load %arg6[%get3A_77] {strides = array<i32>} : memref<7168xi32, #tpu.memory_space<vmem>>, vector<16xi32>,
      %add3A_79 = arith.addi %get3A_78, %mul3A_15 : vector<16xi32>
      %mul3A_80 = arith.constant 128 : i32
      %mul3A_81 = arith.muli %scan3A_32, %mul3A_80 : i32
      %add3A_82 = arith.constant 112 : i32
      %add3A_83 = arith.addi %mul3A_81, %add3A_82 : i32
      %get3A_84 = arith.index_cast %add3A_83 : i32 to index
      %get3A_85 = tpu.vector_load %arg6[%get3A_84] {strides = array<i32>} : memref<7168xi32, #tpu.memory_space<vmem>>, vector<16xi32>,
      %add3A_86 = arith.addi %get3A_85, %mul3A_15 : vector<16xi32>
      %mul3A_87 = arith.constant 128 : i32
      %mul3A_88 = arith.muli %scan3A_32, %mul3A_87 : i32
      %add3A_89 = arith.constant 0 : i32
      %add3A_90 = arith.addi %mul3A_88, %add3A_89 : i32
      %get3A_91 = arith.index_cast %add3A_90 : i32 to index
      %get3A_92 = tpu.vector_load %arg5[%get3A_91] {strides = array<i32>} : memref<7168xf32, #tpu.memory_space<vmem>>, vector<16xf32>,
      %mul3A_93 = arith.constant 128 : i32
      %mul3A_94 = arith.muli %scan3A_32, %mul3A_93 : i32
      %add3A_95 = arith.constant 16 : i32
      %add3A_96 = arith.addi %mul3A_94, %add3A_95 : i32
      %get3A_97 = arith.index_cast %add3A_96 : i32 to index
      %get3A_98 = tpu.vector_load %arg5[%get3A_97] {strides = array<i32>} : memref<7168xf32, #tpu.memory_space<vmem>>, vector<16xf32>,
      %mul3A_99 = arith.constant 128 : i32
      %mul3A_100 = arith.muli %scan3A_32, %mul3A_99 : i32
      %add3A_101 = arith.constant 32 : i32
      %add3A_102 = arith.addi %mul3A_100, %add3A_101 : i32
      %get3A_103 = arith.index_cast %add3A_102 : i32 to index
      %get3A_104 = tpu.vector_load %arg5[%get3A_103] {strides = array<i32>} : memref<7168xf32, #tpu.memory_space<vmem>>, vector<16xf32>,
      %mul3A_105 = arith.constant 128 : i32
      %mul3A_106 = arith.muli %scan3A_32, %mul3A_105 : i32
      %add3A_107 = arith.constant 48 : i32
      %add3A_108 = arith.addi %mul3A_106, %add3A_107 : i32
      %get3A_109 = arith.index_cast %add3A_108 : i32 to index
      %get3A_110 = tpu.vector_load %arg5[%get3A_109] {strides = array<i32>} : memref<7168xf32, #tpu.memory_space<vmem>>, vector<16xf32>,
      %mul3A_111 = arith.constant 128 : i32
      %mul3A_112 = arith.muli %scan3A_32, %mul3A_111 : i32
      %add3A_113 = arith.constant 64 : i32
      %add3A_114 = arith.addi %mul3A_112, %add3A_113 : i32
      %get3A_115 = arith.index_cast %add3A_114 : i32 to index
      %get3A_116 = tpu.vector_load %arg5[%get3A_115] {strides = array<i32>} : memref<7168xf32, #tpu.memory_space<vmem>>, vector<16xf32>,
      %mul3A_117 = arith.constant 128 : i32
      %mul3A_118 = arith.muli %scan3A_32, %mul3A_117 : i32
      %add3A_119 = arith.constant 80 : i32
      %add3A_120 = arith.addi %mul3A_118, %add3A_119 : i32
      %get3A_121 = arith.index_cast %add3A_120 : i32 to index
      %get3A_122 = tpu.vector_load %arg5[%get3A_121] {strides = array<i32>} : memref<7168xf32, #tpu.memory_space<vmem>>, vector<16xf32>,
      %mul3A_123 = arith.constant 128 : i32
      %mul3A_124 = arith.muli %scan3A_32, %mul3A_123 : i32
      %add3A_125 = arith.constant 96 : i32
      %add3A_126 = arith.addi %mul3A_124, %add3A_125 : i32
      %get3A_127 = arith.index_cast %add3A_126 : i32 to index
      %get3A_128 = tpu.vector_load %arg5[%get3A_127] {strides = array<i32>} : memref<7168xf32, #tpu.memory_space<vmem>>, vector<16xf32>,
      %mul3A_129 = arith.constant 128 : i32
      %mul3A_130 = arith.muli %scan3A_32, %mul3A_129 : i32
      %add3A_131 = arith.constant 112 : i32
      %add3A_132 = arith.addi %mul3A_130, %add3A_131 : i32
      %get3A_133 = arith.index_cast %add3A_132 : i32 to index
      %get3A_134 = tpu.vector_load %arg5[%get3A_133] {strides = array<i32>} : memref<7168xf32, #tpu.memory_space<vmem>>, vector<16xf32>,
      tpu.vector_store_idx %arg7[%add3A_37], %get3A_92 masked %broadcast_in_dim3A_17 {add = true} : memref<16384xf32, #tpu.memory_space<vmem>>[vector<16xi32>], vector<16xf32>, vector<16xi1>
      tpu.vector_store_idx %arg7[%add3A_44], %get3A_98 masked %broadcast_in_dim3A_17 {add = true} : memref<16384xf32, #tpu.memory_space<vmem>>[vector<16xi32>], vector<16xf32>, vector<16xi1>
      tpu.vector_store_idx %arg7[%add3A_51], %get3A_104 masked %broadcast_in_dim3A_17 {add = true} : memref<16384xf32, #tpu.memory_space<vmem>>[vector<16xi32>], vector<16xf32>, vector<16xi1>
      tpu.vector_store_idx %arg7[%add3A_58], %get3A_110 masked %broadcast_in_dim3A_17 {add = true} : memref<16384xf32, #tpu.memory_space<vmem>>[vector<16xi32>], vector<16xf32>, vector<16xi1>
      tpu.vector_store_idx %arg7[%add3A_65], %get3A_116 masked %broadcast_in_dim3A_17 {add = true} : memref<16384xf32, #tpu.memory_space<vmem>>[vector<16xi32>], vector<16xf32>, vector<16xi1>
      tpu.vector_store_idx %arg7[%add3A_72], %get3A_122 masked %broadcast_in_dim3A_17 {add = true} : memref<16384xf32, #tpu.memory_space<vmem>>[vector<16xi32>], vector<16xf32>, vector<16xi1>
      tpu.vector_store_idx %arg7[%add3A_79], %get3A_128 masked %broadcast_in_dim3A_17 {add = true} : memref<16384xf32, #tpu.memory_space<vmem>>[vector<16xi32>], vector<16xf32>, vector<16xi1>
      tpu.vector_store_idx %arg7[%add3A_86], %get3A_134 masked %broadcast_in_dim3A_17 {add = true} : memref<16384xf32, #tpu.memory_space<vmem>>[vector<16xi32>], vector<16xf32>, vector<16xi1>
    }
    %scan3A_23 = arith.constant 56 : i32
    %scan3A_24 = arith.constant 0 : i32
    %scan3A_25 = arith.constant 0 : i32
    %scan3A_26 = arith.constant 32 : i32
    %scan3A_27 = arith.addi %scan3A_25, %scan3A_26 : i32
    %scan3A_28 = arith.constant 1 : i32
    scf.for %scan3A_32 = %scan3A_25 to %scan3A_27 step %scan3A_28  : i32 {
      %mul3A_33 = arith.constant 32 : i32
      %mul3A_34 = arith.muli %scan3A_32, %mul3A_33 : i32
      %add3A = arith.constant 0 : i32
      %add3A_35 = arith.addi %mul3A_34, %add3A : i32
      %get3A = arith.index_cast %add3A_35 : i32 to index
      %get3A_36 = tpu.vector_load %arg7[%get3A] {strides = array<i32>} : memref<16384xf32, #tpu.memory_space<vmem>>, vector<16xf32>,
      %add3A_37 = arith.constant 1024 : i32
      %add3A_38 = arith.addi %add3A_37, %add3A_35 : i32
      %get3A_39 = arith.index_cast %add3A_38 : i32 to index
      %get3A_40 = tpu.vector_load %arg7[%get3A_39] {strides = array<i32>} : memref<16384xf32, #tpu.memory_space<vmem>>, vector<16xf32>,
      %add3A_41 = arith.addf %get3A_36, %get3A_40 : vector<16xf32>
      %add3A_42 = arith.constant 2048 : i32
      %add3A_43 = arith.addi %add3A_42, %add3A_35 : i32
      %get3A_44 = arith.index_cast %add3A_43 : i32 to index
      %get3A_45 = tpu.vector_load %arg7[%get3A_44] {strides = array<i32>} : memref<16384xf32, #tpu.memory_space<vmem>>, vector<16xf32>,
      %add3A_46 = arith.addf %add3A_41, %get3A_45 : vector<16xf32>
      %add3A_47 = arith.constant 3072 : i32
      %add3A_48 = arith.addi %add3A_47, %add3A_35 : i32
      %get3A_49 = arith.index_cast %add3A_48 : i32 to index
      %get3A_50 = tpu.vector_load %arg7[%get3A_49] {strides = array<i32>} : memref<16384xf32, #tpu.memory_space<vmem>>, vector<16xf32>,
      %add3A_51 = arith.addf %add3A_46, %get3A_50 : vector<16xf32>
      %add3A_52 = arith.constant 4096 : i32
      %add3A_53 = arith.addi %add3A_52, %add3A_35 : i32
      %get3A_54 = arith.index_cast %add3A_53 : i32 to index
      %get3A_55 = tpu.vector_load %arg7[%get3A_54] {strides = array<i32>} : memref<16384xf32, #tpu.memory_space<vmem>>, vector<16xf32>,
      %add3A_56 = arith.addf %add3A_51, %get3A_55 : vector<16xf32>
      %add3A_57 = arith.constant 5120 : i32
      %add3A_58 = arith.addi %add3A_57, %add3A_35 : i32
      %get3A_59 = arith.index_cast %add3A_58 : i32 to index
      %get3A_60 = tpu.vector_load %arg7[%get3A_59] {strides = array<i32>} : memref<16384xf32, #tpu.memory_space<vmem>>, vector<16xf32>,
      %add3A_61 = arith.addf %add3A_56, %get3A_60 : vector<16xf32>
      %add3A_62 = arith.constant 6144 : i32
      %add3A_63 = arith.addi %add3A_62, %add3A_35 : i32
      %get3A_64 = arith.index_cast %add3A_63 : i32 to index
      %get3A_65 = tpu.vector_load %arg7[%get3A_64] {strides = array<i32>} : memref<16384xf32, #tpu.memory_space<vmem>>, vector<16xf32>,
      %add3A_66 = arith.addf %add3A_61, %get3A_65 : vector<16xf32>
      %add3A_67 = arith.constant 7168 : i32
      %add3A_68 = arith.addi %add3A_67, %add3A_35 : i32
      %get3A_69 = arith.index_cast %add3A_68 : i32 to index
      %get3A_70 = tpu.vector_load %arg7[%get3A_69] {strides = array<i32>} : memref<16384xf32, #tpu.memory_space<vmem>>, vector<16xf32>,
      %add3A_71 = arith.addf %add3A_66, %get3A_70 : vector<16xf32>
      %add3A_72 = arith.constant 8192 : i32
      %add3A_73 = arith.addi %add3A_72, %add3A_35 : i32
      %get3A_74 = arith.index_cast %add3A_73 : i32 to index
      %get3A_75 = tpu.vector_load %arg7[%get3A_74] {strides = array<i32>} : memref<16384xf32, #tpu.memory_space<vmem>>, vector<16xf32>,
      %add3A_76 = arith.addf %add3A_71, %get3A_75 : vector<16xf32>
      %add3A_77 = arith.constant 9216 : i32
      %add3A_78 = arith.addi %add3A_77, %add3A_35 : i32
      %get3A_79 = arith.index_cast %add3A_78 : i32 to index
      %get3A_80 = tpu.vector_load %arg7[%get3A_79] {strides = array<i32>} : memref<16384xf32, #tpu.memory_space<vmem>>, vector<16xf32>,
      %add3A_81 = arith.addf %add3A_76, %get3A_80 : vector<16xf32>
      %add3A_82 = arith.constant 10240 : i32
      %add3A_83 = arith.addi %add3A_82, %add3A_35 : i32
      %get3A_84 = arith.index_cast %add3A_83 : i32 to index
      %get3A_85 = tpu.vector_load %arg7[%get3A_84] {strides = array<i32>} : memref<16384xf32, #tpu.memory_space<vmem>>, vector<16xf32>,
      %add3A_86 = arith.addf %add3A_81, %get3A_85 : vector<16xf32>
      %add3A_87 = arith.constant 11264 : i32
      %add3A_88 = arith.addi %add3A_87, %add3A_35 : i32
      %get3A_89 = arith.index_cast %add3A_88 : i32 to index
      %get3A_90 = tpu.vector_load %arg7[%get3A_89] {strides = array<i32>} : memref<16384xf32, #tpu.memory_space<vmem>>, vector<16xf32>,
      %add3A_91 = arith.addf %add3A_86, %get3A_90 : vector<16xf32>
      %add3A_92 = arith.constant 12288 : i32
      %add3A_93 = arith.addi %add3A_92, %add3A_35 : i32
      %get3A_94 = arith.index_cast %add3A_93 : i32 to index
      %get3A_95 = tpu.vector_load %arg7[%get3A_94] {strides = array<i32>} : memref<16384xf32, #tpu.memory_space<vmem>>, vector<16xf32>,
      %add3A_96 = arith.addf %add3A_91, %get3A_95 : vector<16xf32>
      %add3A_97 = arith.constant 13312 : i32
      %add3A_98 = arith.addi %add3A_97, %add3A_35 : i32
      %get3A_99 = arith.index_cast %add3A_98 : i32 to index
      %get3A_100 = tpu.vector_load %arg7[%get3A_99] {strides = array<i32>} : memref<16384xf32, #tpu.memory_space<vmem>>, vector<16xf32>,
      %add3A_101 = arith.addf %add3A_96, %get3A_100 : vector<16xf32>
      %add3A_102 = arith.constant 14336 : i32
      %add3A_103 = arith.addi %add3A_102, %add3A_35 : i32
      %get3A_104 = arith.index_cast %add3A_103 : i32 to index
      %get3A_105 = tpu.vector_load %arg7[%get3A_104] {strides = array<i32>} : memref<16384xf32, #tpu.memory_space<vmem>>, vector<16xf32>,
      %add3A_106 = arith.addf %add3A_101, %get3A_105 : vector<16xf32>
      %add3A_107 = arith.constant 15360 : i32
      %add3A_108 = arith.addi %add3A_107, %add3A_35 : i32
      %get3A_109 = arith.index_cast %add3A_108 : i32 to index
      %get3A_110 = tpu.vector_load %arg7[%get3A_109] {strides = array<i32>} : memref<16384xf32, #tpu.memory_space<vmem>>, vector<16xf32>,
      %add3A_111 = arith.addf %add3A_106, %get3A_110 : vector<16xf32>
      %swap3A = arith.index_cast %add3A_35 : i32 to index
      %swap3A_112 = tpu.vector_load %arg8[%swap3A] {strides = array<i32>} : memref<1024xf32, #tpu.memory_space<vmem>>, vector<16xf32>,
      tpu.vector_store %arg8[%swap3A], %add3A_111 {strides = array<i32>} : memref<1024xf32, #tpu.memory_space<vmem>>, vector<16xf32>,
      %mul3A_113 = arith.constant 32 : i32
      %mul3A_114 = arith.muli %scan3A_32, %mul3A_113 : i32
      %add3A_115 = arith.constant 16 : i32
      %add3A_116 = arith.addi %mul3A_114, %add3A_115 : i32
      %get3A_117 = arith.index_cast %add3A_116 : i32 to index
      %get3A_118 = tpu.vector_load %arg7[%get3A_117] {strides = array<i32>} : memref<16384xf32, #tpu.memory_space<vmem>>, vector<16xf32>,
      %add3A_119 = arith.constant 1024 : i32
      %add3A_120 = arith.addi %add3A_119, %add3A_116 : i32
      %get3A_121 = arith.index_cast %add3A_120 : i32 to index
      %get3A_122 = tpu.vector_load %arg7[%get3A_121] {strides = array<i32>} : memref<16384xf32, #tpu.memory_space<vmem>>, vector<16xf32>,
      %add3A_123 = arith.addf %get3A_118, %get3A_122 : vector<16xf32>
      %add3A_124 = arith.constant 2048 : i32
      %add3A_125 = arith.addi %add3A_124, %add3A_116 : i32
      %get3A_126 = arith.index_cast %add3A_125 : i32 to index
      %get3A_127 = tpu.vector_load %arg7[%get3A_126] {strides = array<i32>} : memref<16384xf32, #tpu.memory_space<vmem>>, vector<16xf32>,
      %add3A_128 = arith.addf %add3A_123, %get3A_127 : vector<16xf32>
      %add3A_129 = arith.constant 3072 : i32
      %add3A_130 = arith.addi %add3A_129, %add3A_116 : i32
      %get3A_131 = arith.index_cast %add3A_130 : i32 to index
      %get3A_132 = tpu.vector_load %arg7[%get3A_131] {strides = array<i32>} : memref<16384xf32, #tpu.memory_space<vmem>>, vector<16xf32>,
      %add3A_133 = arith.addf %add3A_128, %get3A_132 : vector<16xf32>
      %add3A_134 = arith.constant 4096 : i32
      %add3A_135 = arith.addi %add3A_134, %add3A_116 : i32
      %get3A_136 = arith.index_cast %add3A_135 : i32 to index
      %get3A_137 = tpu.vector_load %arg7[%get3A_136] {strides = array<i32>} : memref<16384xf32, #tpu.memory_space<vmem>>, vector<16xf32>,
      %add3A_138 = arith.addf %add3A_133, %get3A_137 : vector<16xf32>
      %add3A_139 = arith.constant 5120 : i32
      %add3A_140 = arith.addi %add3A_139, %add3A_116 : i32
      %get3A_141 = arith.index_cast %add3A_140 : i32 to index
      %get3A_142 = tpu.vector_load %arg7[%get3A_141] {strides = array<i32>} : memref<16384xf32, #tpu.memory_space<vmem>>, vector<16xf32>,
      %add3A_143 = arith.addf %add3A_138, %get3A_142 : vector<16xf32>
      %add3A_144 = arith.constant 6144 : i32
      %add3A_145 = arith.addi %add3A_144, %add3A_116 : i32
      %get3A_146 = arith.index_cast %add3A_145 : i32 to index
      %get3A_147 = tpu.vector_load %arg7[%get3A_146] {strides = array<i32>} : memref<16384xf32, #tpu.memory_space<vmem>>, vector<16xf32>,
      %add3A_148 = arith.addf %add3A_143, %get3A_147 : vector<16xf32>
      %add3A_149 = arith.constant 7168 : i32
      %add3A_150 = arith.addi %add3A_149, %add3A_116 : i32
      %get3A_151 = arith.index_cast %add3A_150 : i32 to index
      %get3A_152 = tpu.vector_load %arg7[%get3A_151] {strides = array<i32>} : memref<16384xf32, #tpu.memory_space<vmem>>, vector<16xf32>,
      %add3A_153 = arith.addf %add3A_148, %get3A_152 : vector<16xf32>
      %add3A_154 = arith.constant 8192 : i32
      %add3A_155 = arith.addi %add3A_154, %add3A_116 : i32
      %get3A_156 = arith.index_cast %add3A_155 : i32 to index
      %get3A_157 = tpu.vector_load %arg7[%get3A_156] {strides = array<i32>} : memref<16384xf32, #tpu.memory_space<vmem>>, vector<16xf32>,
      %add3A_158 = arith.addf %add3A_153, %get3A_157 : vector<16xf32>
      %add3A_159 = arith.constant 9216 : i32
      %add3A_160 = arith.addi %add3A_159, %add3A_116 : i32
      %get3A_161 = arith.index_cast %add3A_160 : i32 to index
      %get3A_162 = tpu.vector_load %arg7[%get3A_161] {strides = array<i32>} : memref<16384xf32, #tpu.memory_space<vmem>>, vector<16xf32>,
      %add3A_163 = arith.addf %add3A_158, %get3A_162 : vector<16xf32>
      %add3A_164 = arith.constant 10240 : i32
      %add3A_165 = arith.addi %add3A_164, %add3A_116 : i32
      %get3A_166 = arith.index_cast %add3A_165 : i32 to index
      %get3A_167 = tpu.vector_load %arg7[%get3A_166] {strides = array<i32>} : memref<16384xf32, #tpu.memory_space<vmem>>, vector<16xf32>,
      %add3A_168 = arith.addf %add3A_163, %get3A_167 : vector<16xf32>
      %add3A_169 = arith.constant 11264 : i32
      %add3A_170 = arith.addi %add3A_169, %add3A_116 : i32
      %get3A_171 = arith.index_cast %add3A_170 : i32 to index
      %get3A_172 = tpu.vector_load %arg7[%get3A_171] {strides = array<i32>} : memref<16384xf32, #tpu.memory_space<vmem>>, vector<16xf32>,
      %add3A_173 = arith.addf %add3A_168, %get3A_172 : vector<16xf32>
      %add3A_174 = arith.constant 12288 : i32
      %add3A_175 = arith.addi %add3A_174, %add3A_116 : i32
      %get3A_176 = arith.index_cast %add3A_175 : i32 to index
      %get3A_177 = tpu.vector_load %arg7[%get3A_176] {strides = array<i32>} : memref<16384xf32, #tpu.memory_space<vmem>>, vector<16xf32>,
      %add3A_178 = arith.addf %add3A_173, %get3A_177 : vector<16xf32>
      %add3A_179 = arith.constant 13312 : i32
      %add3A_180 = arith.addi %add3A_179, %add3A_116 : i32
      %get3A_181 = arith.index_cast %add3A_180 : i32 to index
      %get3A_182 = tpu.vector_load %arg7[%get3A_181] {strides = array<i32>} : memref<16384xf32, #tpu.memory_space<vmem>>, vector<16xf32>,
      %add3A_183 = arith.addf %add3A_178, %get3A_182 : vector<16xf32>
      %add3A_184 = arith.constant 14336 : i32
      %add3A_185 = arith.addi %add3A_184, %add3A_116 : i32
      %get3A_186 = arith.index_cast %add3A_185 : i32 to index
      %get3A_187 = tpu.vector_load %arg7[%get3A_186] {strides = array<i32>} : memref<16384xf32, #tpu.memory_space<vmem>>, vector<16xf32>,
      %add3A_188 = arith.addf %add3A_183, %get3A_187 : vector<16xf32>
      %add3A_189 = arith.constant 15360 : i32
      %add3A_190 = arith.addi %add3A_189, %add3A_116 : i32
      %get3A_191 = arith.index_cast %add3A_190 : i32 to index
      %get3A_192 = tpu.vector_load %arg7[%get3A_191] {strides = array<i32>} : memref<16384xf32, #tpu.memory_space<vmem>>, vector<16xf32>,
      %add3A_193 = arith.addf %add3A_188, %get3A_192 : vector<16xf32>
      %swap3A_194 = arith.index_cast %add3A_116 : i32 to index
      %swap3A_195 = tpu.vector_load %arg8[%swap3A_194] {strides = array<i32>} : memref<1024xf32, #tpu.memory_space<vmem>>, vector<16xf32>,
      tpu.vector_store %arg8[%swap3A_194], %add3A_193 {strides = array<i32>} : memref<1024xf32, #tpu.memory_space<vmem>>, vector<16xf32>,
    }
    %scan3A_29 = arith.constant 32 : i32
    "tpu.region"() ({
      %run_scoped3A = tpu.sem_alloc : memref<!tpu.dma_semaphore, #tpu.memory_space<semaphore_mem>>
      %dma_start3A_32 = arith.constant 0 : i32
      %dma_start3A_33 = tpu.memref_slice %arg11[%arg1, %dma_start3A_32] : memref<16x1024xf32, #tpu.memory_space<vmem_shared>> -> memref<1x1024xf32, #tpu.memory_space<vmem_shared>>
      %dma_start3A_34 = tpu.memref_squeeze %dma_start3A_33 : memref<1x1024xf32, #tpu.memory_space<vmem_shared>> -> memref<1024xf32, #tpu.memory_space<vmem_shared>>
      %dma_start3A_35 = arith.constant 0 : i32
      %dma_start3A_36 = tpu.memref_slice %arg11[%arg1, %dma_start3A_35] : memref<16x1024xf32, #tpu.memory_space<vmem_shared>> -> memref<1x1024xf32, #tpu.memory_space<vmem_shared>>
      %dma_start3A_37 = tpu.memref_squeeze %dma_start3A_36 : memref<1x1024xf32, #tpu.memory_space<vmem_shared>> -> memref<1024xf32, #tpu.memory_space<vmem_shared>>
      tpu.enqueue_dma source(%arg8 : memref<1024xf32, #tpu.memory_space<vmem>>) target(%dma_start3A_37 : memref<1024xf32, #tpu.memory_space<vmem_shared>>) target_semaphore(%run_scoped3A : memref<!tpu.dma_semaphore, #tpu.memory_space<semaphore_mem>>)
      %dma_wait3A_38 = arith.constant 0 : i32
      %dma_wait3A_39 = tpu.memref_slice %arg11[%arg1, %dma_wait3A_38] : memref<16x1024xf32, #tpu.memory_space<vmem_shared>> -> memref<1x1024xf32, #tpu.memory_space<vmem_shared>>
      %dma_wait3A_40 = tpu.memref_squeeze %dma_wait3A_39 : memref<1x1024xf32, #tpu.memory_space<vmem_shared>> -> memref<1024xf32, #tpu.memory_space<vmem_shared>>
      %dma_wait3A_41 = arith.constant 0 : i32
      %dma_wait3A_42 = tpu.memref_slice %arg11[%arg1, %dma_wait3A_41] : memref<16x1024xf32, #tpu.memory_space<vmem_shared>> -> memref<1x1024xf32, #tpu.memory_space<vmem_shared>>
      %dma_wait3A_43 = tpu.memref_squeeze %dma_wait3A_42 : memref<1x1024xf32, #tpu.memory_space<vmem_shared>> -> memref<1024xf32, #tpu.memory_space<vmem_shared>>
      tpu.wait_dma2 semaphore(%run_scoped3A : memref<!tpu.dma_semaphore, #tpu.memory_space<semaphore_mem>>) src(%arg8 : memref<1024xf32, #tpu.memory_space<vmem>>) dst(%dma_wait3A_43 : memref<1024xf32, #tpu.memory_space<vmem_shared>>)
      tpu.yield
    }) : () -> ()
    %barrier3A = arith.constant 0 : index
    tpu.barrier barrier_id(%barrier3A)
    %lt3A = arith.constant 8 : i32
    %lt3A_30 = arith.cmpi slt, %arg1, %lt3A : i32
    %convert_element_type3A = arith.extui %lt3A_30 : i1 to i32
    %cond3A = arith.constant 0 : i32
    %cond3A_31 = arith.cmpi ne, %convert_element_type3A, %cond3A : i32
    scf.if %cond3A_31 {
      %mul3A_32 = arith.constant 128 : i32
      %mul3A_33 = arith.muli %arg1, %mul3A_32 : i32
      "tpu.region"() ({
        %run_scoped3A = tpu.sem_alloc : memref<!tpu.dma_semaphore, #tpu.memory_space<semaphore_mem>>
        %dma_start3A_681 = arith.constant 0 : i32
        %dma_start3A_682 = tpu.memref_slice %arg11[%dma_start3A_681, %mul3A_33] : memref<16x1024xf32, #tpu.memory_space<vmem_shared>> -> memref<16x128xf32, #tpu.memory_space<vmem_shared>>
        %dma_start3A_683 = arith.constant 0 : i32
        %dma_start3A_684 = tpu.memref_slice %arg11[%dma_start3A_683, %mul3A_33] : memref<16x1024xf32, #tpu.memory_space<vmem_shared>> -> memref<16x128xf32, #tpu.memory_space<vmem_shared>>
        tpu.enqueue_dma source(%dma_start3A_684 : memref<16x128xf32, #tpu.memory_space<vmem_shared>>) target(%arg9 : memref<16x128xf32, #tpu.memory_space<vmem>>) target_semaphore(%run_scoped3A : memref<!tpu.dma_semaphore, #tpu.memory_space<semaphore_mem>>)
        %dma_wait3A_685 = arith.constant 0 : i32
        %dma_wait3A_686 = tpu.memref_slice %arg11[%dma_wait3A_685, %mul3A_33] : memref<16x1024xf32, #tpu.memory_space<vmem_shared>> -> memref<16x128xf32, #tpu.memory_space<vmem_shared>>
        %dma_wait3A_687 = arith.constant 0 : i32
        %dma_wait3A_688 = tpu.memref_slice %arg11[%dma_wait3A_687, %mul3A_33] : memref<16x1024xf32, #tpu.memory_space<vmem_shared>> -> memref<16x128xf32, #tpu.memory_space<vmem_shared>>
        tpu.wait_dma2 semaphore(%run_scoped3A : memref<!tpu.dma_semaphore, #tpu.memory_space<semaphore_mem>>) src(%dma_wait3A_688 : memref<16x128xf32, #tpu.memory_space<vmem_shared>>) dst(%arg9 : memref<16x128xf32, #tpu.memory_space<vmem>>)
        tpu.yield
      }) : () -> ()
      %get3A = arith.constant 0 : i32
      %get3A_34 = arith.index_cast %get3A : i32 to index
      %get3A_35 = arith.constant 0 : index
      %get3A_36 = tpu.vector_load %arg9[%get3A_34, %get3A_35] {strides = array<i32>} : memref<16x128xf32, #tpu.memory_space<vmem>>, vector<16xf32>,
      %get3A_37 = arith.constant 1 : i32
      %get3A_38 = arith.index_cast %get3A_37 : i32 to index
      %get3A_39 = arith.constant 0 : index
      %get3A_40 = tpu.vector_load %arg9[%get3A_38, %get3A_39] {strides = array<i32>} : memref<16x128xf32, #tpu.memory_space<vmem>>, vector<16xf32>,
      %add3A = arith.addf %get3A_36, %get3A_40 : vector<16xf32>
      %get3A_41 = arith.constant 2 : i32
      %get3A_42 = arith.index_cast %get3A_41 : i32 to index
      %get3A_43 = arith.constant 0 : index
      %get3A_44 = tpu.vector_load %arg9[%get3A_42, %get3A_43] {strides = array<i32>} : memref<16x128xf32, #tpu.memory_space<vmem>>, vector<16xf32>,
      %add3A_45 = arith.addf %add3A, %get3A_44 : vector<16xf32>
      %get3A_46 = arith.constant 3 : i32
      %get3A_47 = arith.index_cast %get3A_46 : i32 to index
      %get3A_48 = arith.constant 0 : index
      %get3A_49 = tpu.vector_load %arg9[%get3A_47, %get3A_48] {strides = array<i32>} : memref<16x128xf32, #tpu.memory_space<vmem>>, vector<16xf32>,
      %add3A_50 = arith.addf %add3A_45, %get3A_49 : vector<16xf32>
      %get3A_51 = arith.constant 4 : i32
      %get3A_52 = arith.index_cast %get3A_51 : i32 to index
      %get3A_53 = arith.constant 0 : index
      %get3A_54 = tpu.vector_load %arg9[%get3A_52, %get3A_53] {strides = array<i32>} : memref<16x128xf32, #tpu.memory_space<vmem>>, vector<16xf32>,
      %add3A_55 = arith.addf %add3A_50, %get3A_54 : vector<16xf32>
      %get3A_56 = arith.constant 5 : i32
      %get3A_57 = arith.index_cast %get3A_56 : i32 to index
      %get3A_58 = arith.constant 0 : index
      %get3A_59 = tpu.vector_load %arg9[%get3A_57, %get3A_58] {strides = array<i32>} : memref<16x128xf32, #tpu.memory_space<vmem>>, vector<16xf32>,
      %add3A_60 = arith.addf %add3A_55, %get3A_59 : vector<16xf32>
      %get3A_61 = arith.constant 6 : i32
      %get3A_62 = arith.index_cast %get3A_61 : i32 to index
      %get3A_63 = arith.constant 0 : index
      %get3A_64 = tpu.vector_load %arg9[%get3A_62, %get3A_63] {strides = array<i32>} : memref<16x128xf32, #tpu.memory_space<vmem>>, vector<16xf32>,
      %add3A_65 = arith.addf %add3A_60, %get3A_64 : vector<16xf32>
      %get3A_66 = arith.constant 7 : i32
      %get3A_67 = arith.index_cast %get3A_66 : i32 to index
      %get3A_68 = arith.constant 0 : index
      %get3A_69 = tpu.vector_load %arg9[%get3A_67, %get3A_68] {strides = array<i32>} : memref<16x128xf32, #tpu.memory_space<vmem>>, vector<16xf32>,
      %add3A_70 = arith.addf %add3A_65, %get3A_69 : vector<16xf32>
      %get3A_71 = arith.constant 8 : i32
      %get3A_72 = arith.index_cast %get3A_71 : i32 to index
      %get3A_73 = arith.constant 0 : index
      %get3A_74 = tpu.vector_load %arg9[%get3A_72, %get3A_73] {strides = array<i32>} : memref<16x128xf32, #tpu.memory_space<vmem>>, vector<16xf32>,
      %add3A_75 = arith.addf %add3A_70, %get3A_74 : vector<16xf32>
      %get3A_76 = arith.constant 9 : i32
      %get3A_77 = arith.index_cast %get3A_76 : i32 to index
      %get3A_78 = arith.constant 0 : index
      %get3A_79 = tpu.vector_load %arg9[%get3A_77, %get3A_78] {strides = array<i32>} : memref<16x128xf32, #tpu.memory_space<vmem>>, vector<16xf32>,
      %add3A_80 = arith.addf %add3A_75, %get3A_79 : vector<16xf32>
      %get3A_81 = arith.constant 10 : i32
      %get3A_82 = arith.index_cast %get3A_81 : i32 to index
      %get3A_83 = arith.constant 0 : index
      %get3A_84 = tpu.vector_load %arg9[%get3A_82, %get3A_83] {strides = array<i32>} : memref<16x128xf32, #tpu.memory_space<vmem>>, vector<16xf32>,
      %add3A_85 = arith.addf %add3A_80, %get3A_84 : vector<16xf32>
      %get3A_86 = arith.constant 11 : i32
      %get3A_87 = arith.index_cast %get3A_86 : i32 to index
      %get3A_88 = arith.constant 0 : index
      %get3A_89 = tpu.vector_load %arg9[%get3A_87, %get3A_88] {strides = array<i32>} : memref<16x128xf32, #tpu.memory_space<vmem>>, vector<16xf32>,
      %add3A_90 = arith.addf %add3A_85, %get3A_89 : vector<16xf32>
      %get3A_91 = arith.constant 12 : i32
      %get3A_92 = arith.index_cast %get3A_91 : i32 to index
      %get3A_93 = arith.constant 0 : index
      %get3A_94 = tpu.vector_load %arg9[%get3A_92, %get3A_93] {strides = array<i32>} : memref<16x128xf32, #tpu.memory_space<vmem>>, vector<16xf32>,
      %add3A_95 = arith.addf %add3A_90, %get3A_94 : vector<16xf32>
      %get3A_96 = arith.constant 13 : i32
      %get3A_97 = arith.index_cast %get3A_96 : i32 to index
      %get3A_98 = arith.constant 0 : index
      %get3A_99 = tpu.vector_load %arg9[%get3A_97, %get3A_98] {strides = array<i32>} : memref<16x128xf32, #tpu.memory_space<vmem>>, vector<16xf32>,
      %add3A_100 = arith.addf %add3A_95, %get3A_99 : vector<16xf32>
      %get3A_101 = arith.constant 14 : i32
      %get3A_102 = arith.index_cast %get3A_101 : i32 to index
      %get3A_103 = arith.constant 0 : index
      %get3A_104 = tpu.vector_load %arg9[%get3A_102, %get3A_103] {strides = array<i32>} : memref<16x128xf32, #tpu.memory_space<vmem>>, vector<16xf32>,
      %add3A_105 = arith.addf %add3A_100, %get3A_104 : vector<16xf32>
      %get3A_106 = arith.constant 15 : i32
      %get3A_107 = arith.index_cast %get3A_106 : i32 to index
      %get3A_108 = arith.constant 0 : index
      %get3A_109 = tpu.vector_load %arg9[%get3A_107, %get3A_108] {strides = array<i32>} : memref<16x128xf32, #tpu.memory_space<vmem>>, vector<16xf32>,
      %add3A_110 = arith.addf %add3A_105, %get3A_109 : vector<16xf32>
      %swap3A = arith.constant 0 : index
      %swap3A_111 = tpu.vector_load %arg10[%swap3A] {strides = array<i32>} : memref<128xf32, #tpu.memory_space<vmem>>, vector<16xf32>,
      tpu.vector_store %arg10[%swap3A], %add3A_110 {strides = array<i32>} : memref<128xf32, #tpu.memory_space<vmem>>, vector<16xf32>,
      %get3A_112 = arith.constant 0 : i32
      %get3A_113 = arith.index_cast %get3A_112 : i32 to index
      %get3A_114 = arith.constant 16 : index
      %get3A_115 = tpu.vector_load %arg9[%get3A_113, %get3A_114] {strides = array<i32>} : memref<16x128xf32, #tpu.memory_space<vmem>>, vector<16xf32>,
      %get3A_116 = arith.constant 1 : i32
      %get3A_117 = arith.index_cast %get3A_116 : i32 to index
      %get3A_118 = arith.constant 16 : index
      %get3A_119 = tpu.vector_load %arg9[%get3A_117, %get3A_118] {strides = array<i32>} : memref<16x128xf32, #tpu.memory_space<vmem>>, vector<16xf32>,
      %add3A_120 = arith.addf %get3A_115, %get3A_119 : vector<16xf32>
      %get3A_121 = arith.constant 2 : i32
      %get3A_122 = arith.index_cast %get3A_121 : i32 to index
      %get3A_123 = arith.constant 16 : index
      %get3A_124 = tpu.vector_load %arg9[%get3A_122, %get3A_123] {strides = array<i32>} : memref<16x128xf32, #tpu.memory_space<vmem>>, vector<16xf32>,
      %add3A_125 = arith.addf %add3A_120, %get3A_124 : vector<16xf32>
      %get3A_126 = arith.constant 3 : i32
      %get3A_127 = arith.index_cast %get3A_126 : i32 to index
      %get3A_128 = arith.constant 16 : index
      %get3A_129 = tpu.vector_load %arg9[%get3A_127, %get3A_128] {strides = array<i32>} : memref<16x128xf32, #tpu.memory_space<vmem>>, vector<16xf32>,
      %add3A_130 = arith.addf %add3A_125, %get3A_129 : vector<16xf32>
      %get3A_131 = arith.constant 4 : i32
      %get3A_132 = arith.index_cast %get3A_131 : i32 to index
      %get3A_133 = arith.constant 16 : index
      %get3A_134 = tpu.vector_load %arg9[%get3A_132, %get3A_133] {strides = array<i32>} : memref<16x128xf32, #tpu.memory_space<vmem>>, vector<16xf32>,
      %add3A_135 = arith.addf %add3A_130, %get3A_134 : vector<16xf32>
      %get3A_136 = arith.constant 5 : i32
      %get3A_137 = arith.index_cast %get3A_136 : i32 to index
      %get3A_138 = arith.constant 16 : index
      %get3A_139 = tpu.vector_load %arg9[%get3A_137, %get3A_138] {strides = array<i32>} : memref<16x128xf32, #tpu.memory_space<vmem>>, vector<16xf32>,
      %add3A_140 = arith.addf %add3A_135, %get3A_139 : vector<16xf32>
      %get3A_141 = arith.constant 6 : i32
      %get3A_142 = arith.index_cast %get3A_141 : i32 to index
      %get3A_143 = arith.constant 16 : index
      %get3A_144 = tpu.vector_load %arg9[%get3A_142, %get3A_143] {strides = array<i32>} : memref<16x128xf32, #tpu.memory_space<vmem>>, vector<16xf32>,
      %add3A_145 = arith.addf %add3A_140, %get3A_144 : vector<16xf32>
      %get3A_146 = arith.constant 7 : i32
      %get3A_147 = arith.index_cast %get3A_146 : i32 to index
      %get3A_148 = arith.constant 16 : index
      %get3A_149 = tpu.vector_load %arg9[%get3A_147, %get3A_148] {strides = array<i32>} : memref<16x128xf32, #tpu.memory_space<vmem>>, vector<16xf32>,
      %add3A_150 = arith.addf %add3A_145, %get3A_149 : vector<16xf32>
      %get3A_151 = arith.constant 8 : i32
      %get3A_152 = arith.index_cast %get3A_151 : i32 to index
      %get3A_153 = arith.constant 16 : index
      %get3A_154 = tpu.vector_load %arg9[%get3A_152, %get3A_153] {strides = array<i32>} : memref<16x128xf32, #tpu.memory_space<vmem>>, vector<16xf32>,
      %add3A_155 = arith.addf %add3A_150, %get3A_154 : vector<16xf32>
      %get3A_156 = arith.constant 9 : i32
      %get3A_157 = arith.index_cast %get3A_156 : i32 to index
      %get3A_158 = arith.constant 16 : index
      %get3A_159 = tpu.vector_load %arg9[%get3A_157, %get3A_158] {strides = array<i32>} : memref<16x128xf32, #tpu.memory_space<vmem>>, vector<16xf32>,
      %add3A_160 = arith.addf %add3A_155, %get3A_159 : vector<16xf32>
      %get3A_161 = arith.constant 10 : i32
      %get3A_162 = arith.index_cast %get3A_161 : i32 to index
      %get3A_163 = arith.constant 16 : index
      %get3A_164 = tpu.vector_load %arg9[%get3A_162, %get3A_163] {strides = array<i32>} : memref<16x128xf32, #tpu.memory_space<vmem>>, vector<16xf32>,
      %add3A_165 = arith.addf %add3A_160, %get3A_164 : vector<16xf32>
      %get3A_166 = arith.constant 11 : i32
      %get3A_167 = arith.index_cast %get3A_166 : i32 to index
      %get3A_168 = arith.constant 16 : index
      %get3A_169 = tpu.vector_load %arg9[%get3A_167, %get3A_168] {strides = array<i32>} : memref<16x128xf32, #tpu.memory_space<vmem>>, vector<16xf32>,
      %add3A_170 = arith.addf %add3A_165, %get3A_169 : vector<16xf32>
      %get3A_171 = arith.constant 12 : i32
      %get3A_172 = arith.index_cast %get3A_171 : i32 to index
      %get3A_173 = arith.constant 16 : index
      %get3A_174 = tpu.vector_load %arg9[%get3A_172, %get3A_173] {strides = array<i32>} : memref<16x128xf32, #tpu.memory_space<vmem>>, vector<16xf32>,
      %add3A_175 = arith.addf %add3A_170, %get3A_174 : vector<16xf32>
      %get3A_176 = arith.constant 13 : i32
      %get3A_177 = arith.index_cast %get3A_176 : i32 to index
      %get3A_178 = arith.constant 16 : index
      %get3A_179 = tpu.vector_load %arg9[%get3A_177, %get3A_178] {strides = array<i32>} : memref<16x128xf32, #tpu.memory_space<vmem>>, vector<16xf32>,
      %add3A_180 = arith.addf %add3A_175, %get3A_179 : vector<16xf32>
      %get3A_181 = arith.constant 14 : i32
      %get3A_182 = arith.index_cast %get3A_181 : i32 to index
      %get3A_183 = arith.constant 16 : index
      %get3A_184 = tpu.vector_load %arg9[%get3A_182, %get3A_183] {strides = array<i32>} : memref<16x128xf32, #tpu.memory_space<vmem>>, vector<16xf32>,
      %add3A_185 = arith.addf %add3A_180, %get3A_184 : vector<16xf32>
      %get3A_186 = arith.constant 15 : i32
      %get3A_187 = arith.index_cast %get3A_186 : i32 to index
      %get3A_188 = arith.constant 16 : index
      %get3A_189 = tpu.vector_load %arg9[%get3A_187, %get3A_188] {strides = array<i32>} : memref<16x128xf32, #tpu.memory_space<vmem>>, vector<16xf32>,
      %add3A_190 = arith.addf %add3A_185, %get3A_189 : vector<16xf32>
      %swap3A_191 = arith.constant 16 : index
      %swap3A_192 = tpu.vector_load %arg10[%swap3A_191] {strides = array<i32>} : memref<128xf32, #tpu.memory_space<vmem>>, vector<16xf32>,
      tpu.vector_store %arg10[%swap3A_191], %add3A_190 {strides = array<i32>} : memref<128xf32, #tpu.memory_space<vmem>>, vector<16xf32>,
      %get3A_193 = arith.constant 0 : i32
      %get3A_194 = arith.index_cast %get3A_193 : i32 to index
      %get3A_195 = arith.constant 32 : index
      %get3A_196 = tpu.vector_load %arg9[%get3A_194, %get3A_195] {strides = array<i32>} : memref<16x128xf32, #tpu.memory_space<vmem>>, vector<16xf32>,
      %get3A_197 = arith.constant 1 : i32
      %get3A_198 = arith.index_cast %get3A_197 : i32 to index
      %get3A_199 = arith.constant 32 : index
      %get3A_200 = tpu.vector_load %arg9[%get3A_198, %get3A_199] {strides = array<i32>} : memref<16x128xf32, #tpu.memory_space<vmem>>, vector<16xf32>,
      %add3A_201 = arith.addf %get3A_196, %get3A_200 : vector<16xf32>
      %get3A_202 = arith.constant 2 : i32
      %get3A_203 = arith.index_cast %get3A_202 : i32 to index
      %get3A_204 = arith.constant 32 : index
      %get3A_205 = tpu.vector_load %arg9[%get3A_203, %get3A_204] {strides = array<i32>} : memref<16x128xf32, #tpu.memory_space<vmem>>, vector<16xf32>,
      %add3A_206 = arith.addf %add3A_201, %get3A_205 : vector<16xf32>
      %get3A_207 = arith.constant 3 : i32
      %get3A_208 = arith.index_cast %get3A_207 : i32 to index
      %get3A_209 = arith.constant 32 : index
      %get3A_210 = tpu.vector_load %arg9[%get3A_208, %get3A_209] {strides = array<i32>} : memref<16x128xf32, #tpu.memory_space<vmem>>, vector<16xf32>,
      %add3A_211 = arith.addf %add3A_206, %get3A_210 : vector<16xf32>
      %get3A_212 = arith.constant 4 : i32
      %get3A_213 = arith.index_cast %get3A_212 : i32 to index
      %get3A_214 = arith.constant 32 : index
      %get3A_215 = tpu.vector_load %arg9[%get3A_213, %get3A_214] {strides = array<i32>} : memref<16x128xf32, #tpu.memory_space<vmem>>, vector<16xf32>,
      %add3A_216 = arith.addf %add3A_211, %get3A_215 : vector<16xf32>
      %get3A_217 = arith.constant 5 : i32
      %get3A_218 = arith.index_cast %get3A_217 : i32 to index
      %get3A_219 = arith.constant 32 : index
      %get3A_220 = tpu.vector_load %arg9[%get3A_218, %get3A_219] {strides = array<i32>} : memref<16x128xf32, #tpu.memory_space<vmem>>, vector<16xf32>,
      %add3A_221 = arith.addf %add3A_216, %get3A_220 : vector<16xf32>
      %get3A_222 = arith.constant 6 : i32
      %get3A_223 = arith.index_cast %get3A_222 : i32 to index
      %get3A_224 = arith.constant 32 : index
      %get3A_225 = tpu.vector_load %arg9[%get3A_223, %get3A_224] {strides = array<i32>} : memref<16x128xf32, #tpu.memory_space<vmem>>, vector<16xf32>,
      %add3A_226 = arith.addf %add3A_221, %get3A_225 : vector<16xf32>
      %get3A_227 = arith.constant 7 : i32
      %get3A_228 = arith.index_cast %get3A_227 : i32 to index
      %get3A_229 = arith.constant 32 : index
      %get3A_230 = tpu.vector_load %arg9[%get3A_228, %get3A_229] {strides = array<i32>} : memref<16x128xf32, #tpu.memory_space<vmem>>, vector<16xf32>,
      %add3A_231 = arith.addf %add3A_226, %get3A_230 : vector<16xf32>
      %get3A_232 = arith.constant 8 : i32
      %get3A_233 = arith.index_cast %get3A_232 : i32 to index
      %get3A_234 = arith.constant 32 : index
      %get3A_235 = tpu.vector_load %arg9[%get3A_233, %get3A_234] {strides = array<i32>} : memref<16x128xf32, #tpu.memory_space<vmem>>, vector<16xf32>,
      %add3A_236 = arith.addf %add3A_231, %get3A_235 : vector<16xf32>
      %get3A_237 = arith.constant 9 : i32
      %get3A_238 = arith.index_cast %get3A_237 : i32 to index
      %get3A_239 = arith.constant 32 : index
      %get3A_240 = tpu.vector_load %arg9[%get3A_238, %get3A_239] {strides = array<i32>} : memref<16x128xf32, #tpu.memory_space<vmem>>, vector<16xf32>,
      %add3A_241 = arith.addf %add3A_236, %get3A_240 : vector<16xf32>
      %get3A_242 = arith.constant 10 : i32
      %get3A_243 = arith.index_cast %get3A_242 : i32 to index
      %get3A_244 = arith.constant 32 : index
      %get3A_245 = tpu.vector_load %arg9[%get3A_243, %get3A_244] {strides = array<i32>} : memref<16x128xf32, #tpu.memory_space<vmem>>, vector<16xf32>,
      %add3A_246 = arith.addf %add3A_241, %get3A_245 : vector<16xf32>
      %get3A_247 = arith.constant 11 : i32
      %get3A_248 = arith.index_cast %get3A_247 : i32 to index
      %get3A_249 = arith.constant 32 : index
      %get3A_250 = tpu.vector_load %arg9[%get3A_248, %get3A_249] {strides = array<i32>} : memref<16x128xf32, #tpu.memory_space<vmem>>, vector<16xf32>,
      %add3A_251 = arith.addf %add3A_246, %get3A_250 : vector<16xf32>
      %get3A_252 = arith.constant 12 : i32
      %get3A_253 = arith.index_cast %get3A_252 : i32 to index
      %get3A_254 = arith.constant 32 : index
      %get3A_255 = tpu.vector_load %arg9[%get3A_253, %get3A_254] {strides = array<i32>} : memref<16x128xf32, #tpu.memory_space<vmem>>, vector<16xf32>,
      %add3A_256 = arith.addf %add3A_251, %get3A_255 : vector<16xf32>
      %get3A_257 = arith.constant 13 : i32
      %get3A_258 = arith.index_cast %get3A_257 : i32 to index
      %get3A_259 = arith.constant 32 : index
      %get3A_260 = tpu.vector_load %arg9[%get3A_258, %get3A_259] {strides = array<i32>} : memref<16x128xf32, #tpu.memory_space<vmem>>, vector<16xf32>,
      %add3A_261 = arith.addf %add3A_256, %get3A_260 : vector<16xf32>
      %get3A_262 = arith.constant 14 : i32
      %get3A_263 = arith.index_cast %get3A_262 : i32 to index
      %get3A_264 = arith.constant 32 : index
      %get3A_265 = tpu.vector_load %arg9[%get3A_263, %get3A_264] {strides = array<i32>} : memref<16x128xf32, #tpu.memory_space<vmem>>, vector<16xf32>,
      %add3A_266 = arith.addf %add3A_261, %get3A_265 : vector<16xf32>
      %get3A_267 = arith.constant 15 : i32
      %get3A_268 = arith.index_cast %get3A_267 : i32 to index
      %get3A_269 = arith.constant 32 : index
      %get3A_270 = tpu.vector_load %arg9[%get3A_268, %get3A_269] {strides = array<i32>} : memref<16x128xf32, #tpu.memory_space<vmem>>, vector<16xf32>,
      %add3A_271 = arith.addf %add3A_266, %get3A_270 : vector<16xf32>
      %swap3A_272 = arith.constant 32 : index
      %swap3A_273 = tpu.vector_load %arg10[%swap3A_272] {strides = array<i32>} : memref<128xf32, #tpu.memory_space<vmem>>, vector<16xf32>,
      tpu.vector_store %arg10[%swap3A_272], %add3A_271 {strides = array<i32>} : memref<128xf32, #tpu.memory_space<vmem>>, vector<16xf32>,
      %get3A_274 = arith.constant 0 : i32
      %get3A_275 = arith.index_cast %get3A_274 : i32 to index
      %get3A_276 = arith.constant 48 : index
      %get3A_277 = tpu.vector_load %arg9[%get3A_275, %get3A_276] {strides = array<i32>} : memref<16x128xf32, #tpu.memory_space<vmem>>, vector<16xf32>,
      %get3A_278 = arith.constant 1 : i32
      %get3A_279 = arith.index_cast %get3A_278 : i32 to index
      %get3A_280 = arith.constant 48 : index
      %get3A_281 = tpu.vector_load %arg9[%get3A_279, %get3A_280] {strides = array<i32>} : memref<16x128xf32, #tpu.memory_space<vmem>>, vector<16xf32>,
      %add3A_282 = arith.addf %get3A_277, %get3A_281 : vector<16xf32>
      %get3A_283 = arith.constant 2 : i32
      %get3A_284 = arith.index_cast %get3A_283 : i32 to index
      %get3A_285 = arith.constant 48 : index
      %get3A_286 = tpu.vector_load %arg9[%get3A_284, %get3A_285] {strides = array<i32>} : memref<16x128xf32, #tpu.memory_space<vmem>>, vector<16xf32>,
      %add3A_287 = arith.addf %add3A_282, %get3A_286 : vector<16xf32>
      %get3A_288 = arith.constant 3 : i32
      %get3A_289 = arith.index_cast %get3A_288 : i32 to index
      %get3A_290 = arith.constant 48 : index
      %get3A_291 = tpu.vector_load %arg9[%get3A_289, %get3A_290] {strides = array<i32>} : memref<16x128xf32, #tpu.memory_space<vmem>>, vector<16xf32>,
      %add3A_292 = arith.addf %add3A_287, %get3A_291 : vector<16xf32>
      %get3A_293 = arith.constant 4 : i32
      %get3A_294 = arith.index_cast %get3A_293 : i32 to index
      %get3A_295 = arith.constant 48 : index
      %get3A_296 = tpu.vector_load %arg9[%get3A_294, %get3A_295] {strides = array<i32>} : memref<16x128xf32, #tpu.memory_space<vmem>>, vector<16xf32>,
      %add3A_297 = arith.addf %add3A_292, %get3A_296 : vector<16xf32>
      %get3A_298 = arith.constant 5 : i32
      %get3A_299 = arith.index_cast %get3A_298 : i32 to index
      %get3A_300 = arith.constant 48 : index
      %get3A_301 = tpu.vector_load %arg9[%get3A_299, %get3A_300] {strides = array<i32>} : memref<16x128xf32, #tpu.memory_space<vmem>>, vector<16xf32>,
      %add3A_302 = arith.addf %add3A_297, %get3A_301 : vector<16xf32>
      %get3A_303 = arith.constant 6 : i32
      %get3A_304 = arith.index_cast %get3A_303 : i32 to index
      %get3A_305 = arith.constant 48 : index
      %get3A_306 = tpu.vector_load %arg9[%get3A_304, %get3A_305] {strides = array<i32>} : memref<16x128xf32, #tpu.memory_space<vmem>>, vector<16xf32>,
      %add3A_307 = arith.addf %add3A_302, %get3A_306 : vector<16xf32>
      %get3A_308 = arith.constant 7 : i32
      %get3A_309 = arith.index_cast %get3A_308 : i32 to index
      %get3A_310 = arith.constant 48 : index
      %get3A_311 = tpu.vector_load %arg9[%get3A_309, %get3A_310] {strides = array<i32>} : memref<16x128xf32, #tpu.memory_space<vmem>>, vector<16xf32>,
      %add3A_312 = arith.addf %add3A_307, %get3A_311 : vector<16xf32>
      %get3A_313 = arith.constant 8 : i32
      %get3A_314 = arith.index_cast %get3A_313 : i32 to index
      %get3A_315 = arith.constant 48 : index
      %get3A_316 = tpu.vector_load %arg9[%get3A_314, %get3A_315] {strides = array<i32>} : memref<16x128xf32, #tpu.memory_space<vmem>>, vector<16xf32>,
      %add3A_317 = arith.addf %add3A_312, %get3A_316 : vector<16xf32>
      %get3A_318 = arith.constant 9 : i32
      %get3A_319 = arith.index_cast %get3A_318 : i32 to index
      %get3A_320 = arith.constant 48 : index
      %get3A_321 = tpu.vector_load %arg9[%get3A_319, %get3A_320] {strides = array<i32>} : memref<16x128xf32, #tpu.memory_space<vmem>>, vector<16xf32>,
      %add3A_322 = arith.addf %add3A_317, %get3A_321 : vector<16xf32>
      %get3A_323 = arith.constant 10 : i32
      %get3A_324 = arith.index_cast %get3A_323 : i32 to index
      %get3A_325 = arith.constant 48 : index
      %get3A_326 = tpu.vector_load %arg9[%get3A_324, %get3A_325] {strides = array<i32>} : memref<16x128xf32, #tpu.memory_space<vmem>>, vector<16xf32>,
      %add3A_327 = arith.addf %add3A_322, %get3A_326 : vector<16xf32>
      %get3A_328 = arith.constant 11 : i32
      %get3A_329 = arith.index_cast %get3A_328 : i32 to index
      %get3A_330 = arith.constant 48 : index
      %get3A_331 = tpu.vector_load %arg9[%get3A_329, %get3A_330] {strides = array<i32>} : memref<16x128xf32, #tpu.memory_space<vmem>>, vector<16xf32>,
      %add3A_332 = arith.addf %add3A_327, %get3A_331 : vector<16xf32>
      %get3A_333 = arith.constant 12 : i32
      %get3A_334 = arith.index_cast %get3A_333 : i32 to index
      %get3A_335 = arith.constant 48 : index
      %get3A_336 = tpu.vector_load %arg9[%get3A_334, %get3A_335] {strides = array<i32>} : memref<16x128xf32, #tpu.memory_space<vmem>>, vector<16xf32>,
      %add3A_337 = arith.addf %add3A_332, %get3A_336 : vector<16xf32>
      %get3A_338 = arith.constant 13 : i32
      %get3A_339 = arith.index_cast %get3A_338 : i32 to index
      %get3A_340 = arith.constant 48 : index
      %get3A_341 = tpu.vector_load %arg9[%get3A_339, %get3A_340] {strides = array<i32>} : memref<16x128xf32, #tpu.memory_space<vmem>>, vector<16xf32>,
      %add3A_342 = arith.addf %add3A_337, %get3A_341 : vector<16xf32>
      %get3A_343 = arith.constant 14 : i32
      %get3A_344 = arith.index_cast %get3A_343 : i32 to index
      %get3A_345 = arith.constant 48 : index
      %get3A_346 = tpu.vector_load %arg9[%get3A_344, %get3A_345] {strides = array<i32>} : memref<16x128xf32, #tpu.memory_space<vmem>>, vector<16xf32>,
      %add3A_347 = arith.addf %add3A_342, %get3A_346 : vector<16xf32>
      %get3A_348 = arith.constant 15 : i32
      %get3A_349 = arith.index_cast %get3A_348 : i32 to index
      %get3A_350 = arith.constant 48 : index
      %get3A_351 = tpu.vector_load %arg9[%get3A_349, %get3A_350] {strides = array<i32>} : memref<16x128xf32, #tpu.memory_space<vmem>>, vector<16xf32>,
      %add3A_352 = arith.addf %add3A_347, %get3A_351 : vector<16xf32>
      %swap3A_353 = arith.constant 48 : index
      %swap3A_354 = tpu.vector_load %arg10[%swap3A_353] {strides = array<i32>} : memref<128xf32, #tpu.memory_space<vmem>>, vector<16xf32>,
      tpu.vector_store %arg10[%swap3A_353], %add3A_352 {strides = array<i32>} : memref<128xf32, #tpu.memory_space<vmem>>, vector<16xf32>,
      %get3A_355 = arith.constant 0 : i32
      %get3A_356 = arith.index_cast %get3A_355 : i32 to index
      %get3A_357 = arith.constant 64 : index
      %get3A_358 = tpu.vector_load %arg9[%get3A_356, %get3A_357] {strides = array<i32>} : memref<16x128xf32, #tpu.memory_space<vmem>>, vector<16xf32>,
      %get3A_359 = arith.constant 1 : i32
      %get3A_360 = arith.index_cast %get3A_359 : i32 to index
      %get3A_361 = arith.constant 64 : index
      %get3A_362 = tpu.vector_load %arg9[%get3A_360, %get3A_361] {strides = array<i32>} : memref<16x128xf32, #tpu.memory_space<vmem>>, vector<16xf32>,
      %add3A_363 = arith.addf %get3A_358, %get3A_362 : vector<16xf32>
      %get3A_364 = arith.constant 2 : i32
      %get3A_365 = arith.index_cast %get3A_364 : i32 to index
      %get3A_366 = arith.constant 64 : index
      %get3A_367 = tpu.vector_load %arg9[%get3A_365, %get3A_366] {strides = array<i32>} : memref<16x128xf32, #tpu.memory_space<vmem>>, vector<16xf32>,
      %add3A_368 = arith.addf %add3A_363, %get3A_367 : vector<16xf32>
      %get3A_369 = arith.constant 3 : i32
      %get3A_370 = arith.index_cast %get3A_369 : i32 to index
      %get3A_371 = arith.constant 64 : index
      %get3A_372 = tpu.vector_load %arg9[%get3A_370, %get3A_371] {strides = array<i32>} : memref<16x128xf32, #tpu.memory_space<vmem>>, vector<16xf32>,
      %add3A_373 = arith.addf %add3A_368, %get3A_372 : vector<16xf32>
      %get3A_374 = arith.constant 4 : i32
      %get3A_375 = arith.index_cast %get3A_374 : i32 to index
      %get3A_376 = arith.constant 64 : index
      %get3A_377 = tpu.vector_load %arg9[%get3A_375, %get3A_376] {strides = array<i32>} : memref<16x128xf32, #tpu.memory_space<vmem>>, vector<16xf32>,
      %add3A_378 = arith.addf %add3A_373, %get3A_377 : vector<16xf32>
      %get3A_379 = arith.constant 5 : i32
      %get3A_380 = arith.index_cast %get3A_379 : i32 to index
      %get3A_381 = arith.constant 64 : index
      %get3A_382 = tpu.vector_load %arg9[%get3A_380, %get3A_381] {strides = array<i32>} : memref<16x128xf32, #tpu.memory_space<vmem>>, vector<16xf32>,
      %add3A_383 = arith.addf %add3A_378, %get3A_382 : vector<16xf32>
      %get3A_384 = arith.constant 6 : i32
      %get3A_385 = arith.index_cast %get3A_384 : i32 to index
      %get3A_386 = arith.constant 64 : index
      %get3A_387 = tpu.vector_load %arg9[%get3A_385, %get3A_386] {strides = array<i32>} : memref<16x128xf32, #tpu.memory_space<vmem>>, vector<16xf32>,
      %add3A_388 = arith.addf %add3A_383, %get3A_387 : vector<16xf32>
      %get3A_389 = arith.constant 7 : i32
      %get3A_390 = arith.index_cast %get3A_389 : i32 to index
      %get3A_391 = arith.constant 64 : index
      %get3A_392 = tpu.vector_load %arg9[%get3A_390, %get3A_391] {strides = array<i32>} : memref<16x128xf32, #tpu.memory_space<vmem>>, vector<16xf32>,
      %add3A_393 = arith.addf %add3A_388, %get3A_392 : vector<16xf32>
      %get3A_394 = arith.constant 8 : i32
      %get3A_395 = arith.index_cast %get3A_394 : i32 to index
      %get3A_396 = arith.constant 64 : index
      %get3A_397 = tpu.vector_load %arg9[%get3A_395, %get3A_396] {strides = array<i32>} : memref<16x128xf32, #tpu.memory_space<vmem>>, vector<16xf32>,
      %add3A_398 = arith.addf %add3A_393, %get3A_397 : vector<16xf32>
      %get3A_399 = arith.constant 9 : i32
      %get3A_400 = arith.index_cast %get3A_399 : i32 to index
      %get3A_401 = arith.constant 64 : index
      %get3A_402 = tpu.vector_load %arg9[%get3A_400, %get3A_401] {strides = array<i32>} : memref<16x128xf32, #tpu.memory_space<vmem>>, vector<16xf32>,
      %add3A_403 = arith.addf %add3A_398, %get3A_402 : vector<16xf32>
      %get3A_404 = arith.constant 10 : i32
      %get3A_405 = arith.index_cast %get3A_404 : i32 to index
      %get3A_406 = arith.constant 64 : index
      %get3A_407 = tpu.vector_load %arg9[%get3A_405, %get3A_406] {strides = array<i32>} : memref<16x128xf32, #tpu.memory_space<vmem>>, vector<16xf32>,
      %add3A_408 = arith.addf %add3A_403, %get3A_407 : vector<16xf32>
      %get3A_409 = arith.constant 11 : i32
      %get3A_410 = arith.index_cast %get3A_409 : i32 to index
      %get3A_411 = arith.constant 64 : index
      %get3A_412 = tpu.vector_load %arg9[%get3A_410, %get3A_411] {strides = array<i32>} : memref<16x128xf32, #tpu.memory_space<vmem>>, vector<16xf32>,
      %add3A_413 = arith.addf %add3A_408, %get3A_412 : vector<16xf32>
      %get3A_414 = arith.constant 12 : i32
      %get3A_415 = arith.index_cast %get3A_414 : i32 to index
      %get3A_416 = arith.constant 64 : index
      %get3A_417 = tpu.vector_load %arg9[%get3A_415, %get3A_416] {strides = array<i32>} : memref<16x128xf32, #tpu.memory_space<vmem>>, vector<16xf32>,
      %add3A_418 = arith.addf %add3A_413, %get3A_417 : vector<16xf32>
      %get3A_419 = arith.constant 13 : i32
      %get3A_420 = arith.index_cast %get3A_419 : i32 to index
      %get3A_421 = arith.constant 64 : index
      %get3A_422 = tpu.vector_load %arg9[%get3A_420, %get3A_421] {strides = array<i32>} : memref<16x128xf32, #tpu.memory_space<vmem>>, vector<16xf32>,
      %add3A_423 = arith.addf %add3A_418, %get3A_422 : vector<16xf32>
      %get3A_424 = arith.constant 14 : i32
      %get3A_425 = arith.index_cast %get3A_424 : i32 to index
      %get3A_426 = arith.constant 64 : index
      %get3A_427 = tpu.vector_load %arg9[%get3A_425, %get3A_426] {strides = array<i32>} : memref<16x128xf32, #tpu.memory_space<vmem>>, vector<16xf32>,
      %add3A_428 = arith.addf %add3A_423, %get3A_427 : vector<16xf32>
      %get3A_429 = arith.constant 15 : i32
      %get3A_430 = arith.index_cast %get3A_429 : i32 to index
      %get3A_431 = arith.constant 64 : index
      %get3A_432 = tpu.vector_load %arg9[%get3A_430, %get3A_431] {strides = array<i32>} : memref<16x128xf32, #tpu.memory_space<vmem>>, vector<16xf32>,
      %add3A_433 = arith.addf %add3A_428, %get3A_432 : vector<16xf32>
      %swap3A_434 = arith.constant 64 : index
      %swap3A_435 = tpu.vector_load %arg10[%swap3A_434] {strides = array<i32>} : memref<128xf32, #tpu.memory_space<vmem>>, vector<16xf32>,
      tpu.vector_store %arg10[%swap3A_434], %add3A_433 {strides = array<i32>} : memref<128xf32, #tpu.memory_space<vmem>>, vector<16xf32>,
      %get3A_436 = arith.constant 0 : i32
      %get3A_437 = arith.index_cast %get3A_436 : i32 to index
      %get3A_438 = arith.constant 80 : index
      %get3A_439 = tpu.vector_load %arg9[%get3A_437, %get3A_438] {strides = array<i32>} : memref<16x128xf32, #tpu.memory_space<vmem>>, vector<16xf32>,
      %get3A_440 = arith.constant 1 : i32
      %get3A_441 = arith.index_cast %get3A_440 : i32 to index
      %get3A_442 = arith.constant 80 : index
      %get3A_443 = tpu.vector_load %arg9[%get3A_441, %get3A_442] {strides = array<i32>} : memref<16x128xf32, #tpu.memory_space<vmem>>, vector<16xf32>,
      %add3A_444 = arith.addf %get3A_439, %get3A_443 : vector<16xf32>
      %get3A_445 = arith.constant 2 : i32
      %get3A_446 = arith.index_cast %get3A_445 : i32 to index
      %get3A_447 = arith.constant 80 : index
      %get3A_448 = tpu.vector_load %arg9[%get3A_446, %get3A_447] {strides = array<i32>} : memref<16x128xf32, #tpu.memory_space<vmem>>, vector<16xf32>,
      %add3A_449 = arith.addf %add3A_444, %get3A_448 : vector<16xf32>
      %get3A_450 = arith.constant 3 : i32
      %get3A_451 = arith.index_cast %get3A_450 : i32 to index
      %get3A_452 = arith.constant 80 : index
      %get3A_453 = tpu.vector_load %arg9[%get3A_451, %get3A_452] {strides = array<i32>} : memref<16x128xf32, #tpu.memory_space<vmem>>, vector<16xf32>,
      %add3A_454 = arith.addf %add3A_449, %get3A_453 : vector<16xf32>
      %get3A_455 = arith.constant 4 : i32
      %get3A_456 = arith.index_cast %get3A_455 : i32 to index
      %get3A_457 = arith.constant 80 : index
      %get3A_458 = tpu.vector_load %arg9[%get3A_456, %get3A_457] {strides = array<i32>} : memref<16x128xf32, #tpu.memory_space<vmem>>, vector<16xf32>,
      %add3A_459 = arith.addf %add3A_454, %get3A_458 : vector<16xf32>
      %get3A_460 = arith.constant 5 : i32
      %get3A_461 = arith.index_cast %get3A_460 : i32 to index
      %get3A_462 = arith.constant 80 : index
      %get3A_463 = tpu.vector_load %arg9[%get3A_461, %get3A_462] {strides = array<i32>} : memref<16x128xf32, #tpu.memory_space<vmem>>, vector<16xf32>,
      %add3A_464 = arith.addf %add3A_459, %get3A_463 : vector<16xf32>
      %get3A_465 = arith.constant 6 : i32
      %get3A_466 = arith.index_cast %get3A_465 : i32 to index
      %get3A_467 = arith.constant 80 : index
      %get3A_468 = tpu.vector_load %arg9[%get3A_466, %get3A_467] {strides = array<i32>} : memref<16x128xf32, #tpu.memory_space<vmem>>, vector<16xf32>,
      %add3A_469 = arith.addf %add3A_464, %get3A_468 : vector<16xf32>
      %get3A_470 = arith.constant 7 : i32
      %get3A_471 = arith.index_cast %get3A_470 : i32 to index
      %get3A_472 = arith.constant 80 : index
      %get3A_473 = tpu.vector_load %arg9[%get3A_471, %get3A_472] {strides = array<i32>} : memref<16x128xf32, #tpu.memory_space<vmem>>, vector<16xf32>,
      %add3A_474 = arith.addf %add3A_469, %get3A_473 : vector<16xf32>
      %get3A_475 = arith.constant 8 : i32
      %get3A_476 = arith.index_cast %get3A_475 : i32 to index
      %get3A_477 = arith.constant 80 : index
      %get3A_478 = tpu.vector_load %arg9[%get3A_476, %get3A_477] {strides = array<i32>} : memref<16x128xf32, #tpu.memory_space<vmem>>, vector<16xf32>,
      %add3A_479 = arith.addf %add3A_474, %get3A_478 : vector<16xf32>
      %get3A_480 = arith.constant 9 : i32
      %get3A_481 = arith.index_cast %get3A_480 : i32 to index
      %get3A_482 = arith.constant 80 : index
      %get3A_483 = tpu.vector_load %arg9[%get3A_481, %get3A_482] {strides = array<i32>} : memref<16x128xf32, #tpu.memory_space<vmem>>, vector<16xf32>,
      %add3A_484 = arith.addf %add3A_479, %get3A_483 : vector<16xf32>
      %get3A_485 = arith.constant 10 : i32
      %get3A_486 = arith.index_cast %get3A_485 : i32 to index
      %get3A_487 = arith.constant 80 : index
      %get3A_488 = tpu.vector_load %arg9[%get3A_486, %get3A_487] {strides = array<i32>} : memref<16x128xf32, #tpu.memory_space<vmem>>, vector<16xf32>,
      %add3A_489 = arith.addf %add3A_484, %get3A_488 : vector<16xf32>
      %get3A_490 = arith.constant 11 : i32
      %get3A_491 = arith.index_cast %get3A_490 : i32 to index
      %get3A_492 = arith.constant 80 : index
      %get3A_493 = tpu.vector_load %arg9[%get3A_491, %get3A_492] {strides = array<i32>} : memref<16x128xf32, #tpu.memory_space<vmem>>, vector<16xf32>,
      %add3A_494 = arith.addf %add3A_489, %get3A_493 : vector<16xf32>
      %get3A_495 = arith.constant 12 : i32
      %get3A_496 = arith.index_cast %get3A_495 : i32 to index
      %get3A_497 = arith.constant 80 : index
      %get3A_498 = tpu.vector_load %arg9[%get3A_496, %get3A_497] {strides = array<i32>} : memref<16x128xf32, #tpu.memory_space<vmem>>, vector<16xf32>,
      %add3A_499 = arith.addf %add3A_494, %get3A_498 : vector<16xf32>
      %get3A_500 = arith.constant 13 : i32
      %get3A_501 = arith.index_cast %get3A_500 : i32 to index
      %get3A_502 = arith.constant 80 : index
      %get3A_503 = tpu.vector_load %arg9[%get3A_501, %get3A_502] {strides = array<i32>} : memref<16x128xf32, #tpu.memory_space<vmem>>, vector<16xf32>,
      %add3A_504 = arith.addf %add3A_499, %get3A_503 : vector<16xf32>
      %get3A_505 = arith.constant 14 : i32
      %get3A_506 = arith.index_cast %get3A_505 : i32 to index
      %get3A_507 = arith.constant 80 : index
      %get3A_508 = tpu.vector_load %arg9[%get3A_506, %get3A_507] {strides = array<i32>} : memref<16x128xf32, #tpu.memory_space<vmem>>, vector<16xf32>,
      %add3A_509 = arith.addf %add3A_504, %get3A_508 : vector<16xf32>
      %get3A_510 = arith.constant 15 : i32
      %get3A_511 = arith.index_cast %get3A_510 : i32 to index
      %get3A_512 = arith.constant 80 : index
      %get3A_513 = tpu.vector_load %arg9[%get3A_511, %get3A_512] {strides = array<i32>} : memref<16x128xf32, #tpu.memory_space<vmem>>, vector<16xf32>,
      %add3A_514 = arith.addf %add3A_509, %get3A_513 : vector<16xf32>
      %swap3A_515 = arith.constant 80 : index
      %swap3A_516 = tpu.vector_load %arg10[%swap3A_515] {strides = array<i32>} : memref<128xf32, #tpu.memory_space<vmem>>, vector<16xf32>,
      tpu.vector_store %arg10[%swap3A_515], %add3A_514 {strides = array<i32>} : memref<128xf32, #tpu.memory_space<vmem>>, vector<16xf32>,
      %get3A_517 = arith.constant 0 : i32
      %get3A_518 = arith.index_cast %get3A_517 : i32 to index
      %get3A_519 = arith.constant 96 : index
      %get3A_520 = tpu.vector_load %arg9[%get3A_518, %get3A_519] {strides = array<i32>} : memref<16x128xf32, #tpu.memory_space<vmem>>, vector<16xf32>,
      %get3A_521 = arith.constant 1 : i32
      %get3A_522 = arith.index_cast %get3A_521 : i32 to index
      %get3A_523 = arith.constant 96 : index
      %get3A_524 = tpu.vector_load %arg9[%get3A_522, %get3A_523] {strides = array<i32>} : memref<16x128xf32, #tpu.memory_space<vmem>>, vector<16xf32>,
      %add3A_525 = arith.addf %get3A_520, %get3A_524 : vector<16xf32>
      %get3A_526 = arith.constant 2 : i32
      %get3A_527 = arith.index_cast %get3A_526 : i32 to index
      %get3A_528 = arith.constant 96 : index
      %get3A_529 = tpu.vector_load %arg9[%get3A_527, %get3A_528] {strides = array<i32>} : memref<16x128xf32, #tpu.memory_space<vmem>>, vector<16xf32>,
      %add3A_530 = arith.addf %add3A_525, %get3A_529 : vector<16xf32>
      %get3A_531 = arith.constant 3 : i32
      %get3A_532 = arith.index_cast %get3A_531 : i32 to index
      %get3A_533 = arith.constant 96 : index
      %get3A_534 = tpu.vector_load %arg9[%get3A_532, %get3A_533] {strides = array<i32>} : memref<16x128xf32, #tpu.memory_space<vmem>>, vector<16xf32>,
      %add3A_535 = arith.addf %add3A_530, %get3A_534 : vector<16xf32>
      %get3A_536 = arith.constant 4 : i32
      %get3A_537 = arith.index_cast %get3A_536 : i32 to index
      %get3A_538 = arith.constant 96 : index
      %get3A_539 = tpu.vector_load %arg9[%get3A_537, %get3A_538] {strides = array<i32>} : memref<16x128xf32, #tpu.memory_space<vmem>>, vector<16xf32>,
      %add3A_540 = arith.addf %add3A_535, %get3A_539 : vector<16xf32>
      %get3A_541 = arith.constant 5 : i32
      %get3A_542 = arith.index_cast %get3A_541 : i32 to index
      %get3A_543 = arith.constant 96 : index
      %get3A_544 = tpu.vector_load %arg9[%get3A_542, %get3A_543] {strides = array<i32>} : memref<16x128xf32, #tpu.memory_space<vmem>>, vector<16xf32>,
      %add3A_545 = arith.addf %add3A_540, %get3A_544 : vector<16xf32>
      %get3A_546 = arith.constant 6 : i32
      %get3A_547 = arith.index_cast %get3A_546 : i32 to index
      %get3A_548 = arith.constant 96 : index
      %get3A_549 = tpu.vector_load %arg9[%get3A_547, %get3A_548] {strides = array<i32>} : memref<16x128xf32, #tpu.memory_space<vmem>>, vector<16xf32>,
      %add3A_550 = arith.addf %add3A_545, %get3A_549 : vector<16xf32>
      %get3A_551 = arith.constant 7 : i32
      %get3A_552 = arith.index_cast %get3A_551 : i32 to index
      %get3A_553 = arith.constant 96 : index
      %get3A_554 = tpu.vector_load %arg9[%get3A_552, %get3A_553] {strides = array<i32>} : memref<16x128xf32, #tpu.memory_space<vmem>>, vector<16xf32>,
      %add3A_555 = arith.addf %add3A_550, %get3A_554 : vector<16xf32>
      %get3A_556 = arith.constant 8 : i32
      %get3A_557 = arith.index_cast %get3A_556 : i32 to index
      %get3A_558 = arith.constant 96 : index
      %get3A_559 = tpu.vector_load %arg9[%get3A_557, %get3A_558] {strides = array<i32>} : memref<16x128xf32, #tpu.memory_space<vmem>>, vector<16xf32>,
      %add3A_560 = arith.addf %add3A_555, %get3A_559 : vector<16xf32>
      %get3A_561 = arith.constant 9 : i32
      %get3A_562 = arith.index_cast %get3A_561 : i32 to index
      %get3A_563 = arith.constant 96 : index
      %get3A_564 = tpu.vector_load %arg9[%get3A_562, %get3A_563] {strides = array<i32>} : memref<16x128xf32, #tpu.memory_space<vmem>>, vector<16xf32>,
      %add3A_565 = arith.addf %add3A_560, %get3A_564 : vector<16xf32>
      %get3A_566 = arith.constant 10 : i32
      %get3A_567 = arith.index_cast %get3A_566 : i32 to index
      %get3A_568 = arith.constant 96 : index
      %get3A_569 = tpu.vector_load %arg9[%get3A_567, %get3A_568] {strides = array<i32>} : memref<16x128xf32, #tpu.memory_space<vmem>>, vector<16xf32>,
      %add3A_570 = arith.addf %add3A_565, %get3A_569 : vector<16xf32>
      %get3A_571 = arith.constant 11 : i32
      %get3A_572 = arith.index_cast %get3A_571 : i32 to index
      %get3A_573 = arith.constant 96 : index
      %get3A_574 = tpu.vector_load %arg9[%get3A_572, %get3A_573] {strides = array<i32>} : memref<16x128xf32, #tpu.memory_space<vmem>>, vector<16xf32>,
      %add3A_575 = arith.addf %add3A_570, %get3A_574 : vector<16xf32>
      %get3A_576 = arith.constant 12 : i32
      %get3A_577 = arith.index_cast %get3A_576 : i32 to index
      %get3A_578 = arith.constant 96 : index
      %get3A_579 = tpu.vector_load %arg9[%get3A_577, %get3A_578] {strides = array<i32>} : memref<16x128xf32, #tpu.memory_space<vmem>>, vector<16xf32>,
      %add3A_580 = arith.addf %add3A_575, %get3A_579 : vector<16xf32>
      %get3A_581 = arith.constant 13 : i32
      %get3A_582 = arith.index_cast %get3A_581 : i32 to index
      %get3A_583 = arith.constant 96 : index
      %get3A_584 = tpu.vector_load %arg9[%get3A_582, %get3A_583] {strides = array<i32>} : memref<16x128xf32, #tpu.memory_space<vmem>>, vector<16xf32>,
      %add3A_585 = arith.addf %add3A_580, %get3A_584 : vector<16xf32>
      %get3A_586 = arith.constant 14 : i32
      %get3A_587 = arith.index_cast %get3A_586 : i32 to index
      %get3A_588 = arith.constant 96 : index
      %get3A_589 = tpu.vector_load %arg9[%get3A_587, %get3A_588] {strides = array<i32>} : memref<16x128xf32, #tpu.memory_space<vmem>>, vector<16xf32>,
      %add3A_590 = arith.addf %add3A_585, %get3A_589 : vector<16xf32>
      %get3A_591 = arith.constant 15 : i32
      %get3A_592 = arith.index_cast %get3A_591 : i32 to index
      %get3A_593 = arith.constant 96 : index
      %get3A_594 = tpu.vector_load %arg9[%get3A_592, %get3A_593] {strides = array<i32>} : memref<16x128xf32, #tpu.memory_space<vmem>>, vector<16xf32>,
      %add3A_595 = arith.addf %add3A_590, %get3A_594 : vector<16xf32>
      %swap3A_596 = arith.constant 96 : index
      %swap3A_597 = tpu.vector_load %arg10[%swap3A_596] {strides = array<i32>} : memref<128xf32, #tpu.memory_space<vmem>>, vector<16xf32>,
      tpu.vector_store %arg10[%swap3A_596], %add3A_595 {strides = array<i32>} : memref<128xf32, #tpu.memory_space<vmem>>, vector<16xf32>,
      %get3A_598 = arith.constant 0 : i32
      %get3A_599 = arith.index_cast %get3A_598 : i32 to index
      %get3A_600 = arith.constant 112 : index
      %get3A_601 = tpu.vector_load %arg9[%get3A_599, %get3A_600] {strides = array<i32>} : memref<16x128xf32, #tpu.memory_space<vmem>>, vector<16xf32>,
      %get3A_602 = arith.constant 1 : i32
      %get3A_603 = arith.index_cast %get3A_602 : i32 to index
      %get3A_604 = arith.constant 112 : index
      %get3A_605 = tpu.vector_load %arg9[%get3A_603, %get3A_604] {strides = array<i32>} : memref<16x128xf32, #tpu.memory_space<vmem>>, vector<16xf32>,
      %add3A_606 = arith.addf %get3A_601, %get3A_605 : vector<16xf32>
      %get3A_607 = arith.constant 2 : i32
      %get3A_608 = arith.index_cast %get3A_607 : i32 to index
      %get3A_609 = arith.constant 112 : index
      %get3A_610 = tpu.vector_load %arg9[%get3A_608, %get3A_609] {strides = array<i32>} : memref<16x128xf32, #tpu.memory_space<vmem>>, vector<16xf32>,
      %add3A_611 = arith.addf %add3A_606, %get3A_610 : vector<16xf32>
      %get3A_612 = arith.constant 3 : i32
      %get3A_613 = arith.index_cast %get3A_612 : i32 to index
      %get3A_614 = arith.constant 112 : index
      %get3A_615 = tpu.vector_load %arg9[%get3A_613, %get3A_614] {strides = array<i32>} : memref<16x128xf32, #tpu.memory_space<vmem>>, vector<16xf32>,
      %add3A_616 = arith.addf %add3A_611, %get3A_615 : vector<16xf32>
      %get3A_617 = arith.constant 4 : i32
      %get3A_618 = arith.index_cast %get3A_617 : i32 to index
      %get3A_619 = arith.constant 112 : index
      %get3A_620 = tpu.vector_load %arg9[%get3A_618, %get3A_619] {strides = array<i32>} : memref<16x128xf32, #tpu.memory_space<vmem>>, vector<16xf32>,
      %add3A_621 = arith.addf %add3A_616, %get3A_620 : vector<16xf32>
      %get3A_622 = arith.constant 5 : i32
      %get3A_623 = arith.index_cast %get3A_622 : i32 to index
      %get3A_624 = arith.constant 112 : index
      %get3A_625 = tpu.vector_load %arg9[%get3A_623, %get3A_624] {strides = array<i32>} : memref<16x128xf32, #tpu.memory_space<vmem>>, vector<16xf32>,
      %add3A_626 = arith.addf %add3A_621, %get3A_625 : vector<16xf32>
      %get3A_627 = arith.constant 6 : i32
      %get3A_628 = arith.index_cast %get3A_627 : i32 to index
      %get3A_629 = arith.constant 112 : index
      %get3A_630 = tpu.vector_load %arg9[%get3A_628, %get3A_629] {strides = array<i32>} : memref<16x128xf32, #tpu.memory_space<vmem>>, vector<16xf32>,
      %add3A_631 = arith.addf %add3A_626, %get3A_630 : vector<16xf32>
      %get3A_632 = arith.constant 7 : i32
      %get3A_633 = arith.index_cast %get3A_632 : i32 to index
      %get3A_634 = arith.constant 112 : index
      %get3A_635 = tpu.vector_load %arg9[%get3A_633, %get3A_634] {strides = array<i32>} : memref<16x128xf32, #tpu.memory_space<vmem>>, vector<16xf32>,
      %add3A_636 = arith.addf %add3A_631, %get3A_635 : vector<16xf32>
      %get3A_637 = arith.constant 8 : i32
      %get3A_638 = arith.index_cast %get3A_637 : i32 to index
      %get3A_639 = arith.constant 112 : index
      %get3A_640 = tpu.vector_load %arg9[%get3A_638, %get3A_639] {strides = array<i32>} : memref<16x128xf32, #tpu.memory_space<vmem>>, vector<16xf32>,
      %add3A_641 = arith.addf %add3A_636, %get3A_640 : vector<16xf32>
      %get3A_642 = arith.constant 9 : i32
      %get3A_643 = arith.index_cast %get3A_642 : i32 to index
      %get3A_644 = arith.constant 112 : index
      %get3A_645 = tpu.vector_load %arg9[%get3A_643, %get3A_644] {strides = array<i32>} : memref<16x128xf32, #tpu.memory_space<vmem>>, vector<16xf32>,
      %add3A_646 = arith.addf %add3A_641, %get3A_645 : vector<16xf32>
      %get3A_647 = arith.constant 10 : i32
      %get3A_648 = arith.index_cast %get3A_647 : i32 to index
      %get3A_649 = arith.constant 112 : index
      %get3A_650 = tpu.vector_load %arg9[%get3A_648, %get3A_649] {strides = array<i32>} : memref<16x128xf32, #tpu.memory_space<vmem>>, vector<16xf32>,
      %add3A_651 = arith.addf %add3A_646, %get3A_650 : vector<16xf32>
      %get3A_652 = arith.constant 11 : i32
      %get3A_653 = arith.index_cast %get3A_652 : i32 to index
      %get3A_654 = arith.constant 112 : index
      %get3A_655 = tpu.vector_load %arg9[%get3A_653, %get3A_654] {strides = array<i32>} : memref<16x128xf32, #tpu.memory_space<vmem>>, vector<16xf32>,
      %add3A_656 = arith.addf %add3A_651, %get3A_655 : vector<16xf32>
      %get3A_657 = arith.constant 12 : i32
      %get3A_658 = arith.index_cast %get3A_657 : i32 to index
      %get3A_659 = arith.constant 112 : index
      %get3A_660 = tpu.vector_load %arg9[%get3A_658, %get3A_659] {strides = array<i32>} : memref<16x128xf32, #tpu.memory_space<vmem>>, vector<16xf32>,
      %add3A_661 = arith.addf %add3A_656, %get3A_660 : vector<16xf32>
      %get3A_662 = arith.constant 13 : i32
      %get3A_663 = arith.index_cast %get3A_662 : i32 to index
      %get3A_664 = arith.constant 112 : index
      %get3A_665 = tpu.vector_load %arg9[%get3A_663, %get3A_664] {strides = array<i32>} : memref<16x128xf32, #tpu.memory_space<vmem>>, vector<16xf32>,
      %add3A_666 = arith.addf %add3A_661, %get3A_665 : vector<16xf32>
      %get3A_667 = arith.constant 14 : i32
      %get3A_668 = arith.index_cast %get3A_667 : i32 to index
      %get3A_669 = arith.constant 112 : index
      %get3A_670 = tpu.vector_load %arg9[%get3A_668, %get3A_669] {strides = array<i32>} : memref<16x128xf32, #tpu.memory_space<vmem>>, vector<16xf32>,
      %add3A_671 = arith.addf %add3A_666, %get3A_670 : vector<16xf32>
      %get3A_672 = arith.constant 15 : i32
      %get3A_673 = arith.index_cast %get3A_672 : i32 to index
      %get3A_674 = arith.constant 112 : index
      %get3A_675 = tpu.vector_load %arg9[%get3A_673, %get3A_674] {strides = array<i32>} : memref<16x128xf32, #tpu.memory_space<vmem>>, vector<16xf32>,
      %add3A_676 = arith.addf %add3A_671, %get3A_675 : vector<16xf32>
      %swap3A_677 = arith.constant 112 : index
      %swap3A_678 = tpu.vector_load %arg10[%swap3A_677] {strides = array<i32>} : memref<128xf32, #tpu.memory_space<vmem>>, vector<16xf32>,
      tpu.vector_store %arg10[%swap3A_677], %add3A_676 {strides = array<i32>} : memref<128xf32, #tpu.memory_space<vmem>>, vector<16xf32>,
      %mul3A_679 = arith.constant 128 : i32
      %mul3A_680 = arith.muli %arg1, %mul3A_679 : i32
      "tpu.region"() ({
        %run_scoped3A = tpu.sem_alloc : memref<!tpu.dma_semaphore, #tpu.memory_space<semaphore_mem>>
        %dma_start3A_681 = tpu.memref_slice %arg4[%mul3A_680] : memref<1024xf32, #tpu.memory_space<hbm>> -> memref<128xf32, #tpu.memory_space<hbm>>
        %dma_start3A_682 = tpu.memref_slice %arg4[%mul3A_680] : memref<1024xf32, #tpu.memory_space<hbm>> -> memref<128xf32, #tpu.memory_space<hbm>>
        tpu.enqueue_dma source(%arg10 : memref<128xf32, #tpu.memory_space<vmem>>) target(%dma_start3A_682 : memref<128xf32, #tpu.memory_space<hbm>>) target_semaphore(%run_scoped3A : memref<!tpu.dma_semaphore, #tpu.memory_space<semaphore_mem>>)
        %dma_wait3A_683 = tpu.memref_slice %arg4[%mul3A_680] : memref<1024xf32, #tpu.memory_space<hbm>> -> memref<128xf32, #tpu.memory_space<hbm>>
        %dma_wait3A_684 = tpu.memref_slice %arg4[%mul3A_680] : memref<1024xf32, #tpu.memory_space<hbm>> -> memref<128xf32, #tpu.memory_space<hbm>>
        tpu.wait_dma2 semaphore(%run_scoped3A : memref<!tpu.dma_semaphore, #tpu.memory_space<semaphore_mem>>) src(%arg10 : memref<128xf32, #tpu.memory_space<vmem>>) dst(%dma_wait3A_684 : memref<128xf32, #tpu.memory_space<hbm>>)
        tpu.yield
      }) : () -> ()
    } else {
    }
    return
  }
}

module attributes {stable_mosaic.version = 14 : i64} {
  func.func @_tc_body(%arg0: i32, %arg1: memref<57344xi32, #tpu.memory_space<vmem>>, %arg2: memref<8x57344xbf16, #tpu.memory_space<vmem>>, %arg3: memref<128x136xbf16, #tpu.memory_space<vmem>>, %arg4: memref<128x1xf32, #tpu.memory_space<vmem>>, %arg5: memref<1x1x57344xf32, #tpu.memory_space<vmem>>) attributes {dimension_semantics = [#tpu.dimension_semantics<arbitrary>], iteration_bounds = array<i64: 2>, scalar_prefetch = 0 : i64, scratch_operands = 0 : i64, tpu.core_type = #tpu.core_type<tc>, window_params = [{transform_indices = @transform_0, window_bounds = array<i64: 57344>}, {transform_indices = @transform_1, window_bounds = array<i64: 8, 57344>}, {pipeline_mode = #tpu.pipeline_mode<synchronous>, transform_indices = @transform_2, window_bounds = array<i64: 128, 136>}, {pipeline_mode = #tpu.pipeline_mode<synchronous>, transform_indices = @transform_3, window_bounds = array<i64: 128, 1>}, {transform_indices = @transform_4, window_bounds = array<i64: 1, 1, 57344>}]} {
    %get3A = arith.constant 0 : index
    %get3A_0 = vector.load %arg1[%get3A] : memref<57344xi32, #tpu.memory_space<vmem>>, vector<57344xi32>
    %broadcast_in_dim3A = vector.shape_cast %get3A_0 : vector<57344xi32> to vector<1x57344xi32>
    %iota3A = tpu.iota {dimensions = array<i32: 0>} : vector<128x57344xi32>
    %eq3A = vector.broadcast %broadcast_in_dim3A : vector<1x57344xi32> to vector<128x57344xi32>
    %eq3A_1 = arith.cmpi eq, %eq3A, %iota3A : vector<128x57344xi32>
    %convert_element_type3A = arith.extui %eq3A_1 : vector<128x57344xi1> to vector<128x57344xi32>
    %convert_element_type3A_2 = arith.sitofp %convert_element_type3A : vector<128x57344xi32> to vector<128x57344xf32>
    %convert_element_type3A_3 = arith.truncf %convert_element_type3A_2 : vector<128x57344xf32> to vector<128x57344xbf16>
    %get3A_4 = arith.constant 0 : index
    %get3A_5 = arith.constant 0 : index
    %get3A_6 = vector.load %arg2[%get3A_4, %get3A_5] : memref<8x57344xbf16, #tpu.memory_space<vmem>>, vector<8x57344xbf16>
    %concatenate3A = tpu.concatenate %convert_element_type3A_3, %get3A_6 in 0 : vector<128x57344xbf16>, vector<8x57344xbf16> -> vector<136x57344xbf16>
    %get3A_7 = arith.constant 0 : index
    %get3A_8 = arith.constant 0 : index
    %get3A_9 = vector.load %arg3[%get3A_7, %get3A_8] : memref<128x136xbf16, #tpu.memory_space<vmem>>, vector<128x136xbf16>
    %dot_general3A = arith.constant dense<0.000000e+00> : vector<128x57344xf32>
    %dot_general3A_10 = tpu.matmul %get3A_9, %concatenate3A, %dot_general3A {dimension_numbers = #tpu.dot_dimension_numbers<[1], [0], [0], [1], [0, 0, 1, 1], [], []>, transpose_lhs_hint = false} : vector<128x136xbf16>, vector<136x57344xbf16>, vector<128x57344xf32> -> vector<128x57344xf32>
    %tanh3A = math.tanh %dot_general3A_10 : vector<128x57344xf32>
    %get3A_11 = arith.constant 0 : index
    %get3A_12 = arith.constant 0 : index
    %get3A_13 = vector.load %arg4[%get3A_11, %get3A_12] : memref<128x1xf32, #tpu.memory_space<vmem>>, vector<128x1xf32>
    %mul3A = vector.broadcast %get3A_13 : vector<128x1xf32> to vector<128x57344xf32>
    %mul3A_14 = arith.mulf %tanh3A, %mul3A : vector<128x57344xf32>
    %reduce_sum3A = arith.constant dense<0.000000e+00> : vector<57344xf32>
    %reduce_sum3A_15 = vector.multi_reduction <add>, %mul3A_14, %reduce_sum3A [0] : vector<128x57344xf32> to vector<57344xf32>
    %broadcast_in_dim3A_16 = vector.shape_cast %reduce_sum3A_15 : vector<57344xf32> to vector<1x57344xf32>
    %mul3A_17 = arith.constant 57344 : i32
    %mul3A_18 = arith.muli %arg0, %mul3A_17 : i32
    %iota3A_19 = tpu.iota {dimensions = array<i32: 1>} : vector<1x57344xi32>
    %add3A = vector.broadcast %mul3A_18 : i32 to vector<1x57344xi32>
    %add3A_20 = arith.addi %add3A, %iota3A_19 : vector<1x57344xi32>
    %lt3A = arith.constant 100000 : i32
    %lt3A_21 = vector.broadcast %lt3A : i32 to vector<1x57344xi32>
    %lt3A_22 = arith.cmpi slt, %add3A_20, %lt3A_21 : vector<1x57344xi32>
    %jit3A = arith.constant 0.000000e+00 : f32
    %broadcast_in_dim3A_23 = vector.broadcast %jit3A : f32 to vector<1x57344xf32>
    %select_n3A = arith.select %lt3A_22, %broadcast_in_dim3A_16, %broadcast_in_dim3A_23 : vector<1x57344xi1>, vector<1x57344xf32>
    %swap3A = arith.constant 0 : index
    %swap3A_24 = arith.constant 0 : index
    %swap3A_25 = arith.constant 0 : index
    %swap3A_26 = vector.load %arg5[%swap3A, %swap3A_24, %swap3A_25] : memref<1x1x57344xf32, #tpu.memory_space<vmem>>, vector<1x1x57344xf32>
    %swap3A_27 = vector.shape_cast %swap3A_26 : vector<1x1x57344xf32> to vector<1x57344xf32>
    %swap3A_28 = vector.shape_cast %select_n3A : vector<1x57344xf32> to vector<1x1x57344xf32>
    tpu.vector_store %arg5[%swap3A, %swap3A_24, %swap3A_25], %swap3A_28 {strides = array<i32>} : memref<1x1x57344xf32, #tpu.memory_space<vmem>>, vector<1x1x57344xf32>,
    return
  }
  func.func @transform_0(%arg0: i32) -> i32 {
    %c0_i32 = arith.constant 0 : i32
    return %arg0 : i32
  }
  func.func @transform_1(%arg0: i32) -> (i32, i32) {
    %c0_i32 = arith.constant 0 : i32
    %c0_i32_0 = arith.constant 0 : i32
    return %c0_i32, %arg0 : i32, i32
  }
  func.func @transform_2(%arg0: i32) -> (i32, i32) {
    %c0_i32 = arith.constant 0 : i32
    %c0_i32_0 = arith.constant 0 : i32
    %c0_i32_1 = arith.constant 0 : i32
    return %c0_i32, %c0_i32_0 : i32, i32
  }
  func.func @transform_3(%arg0: i32) -> (i32, i32) {
    %c0_i32 = arith.constant 0 : i32
    %c0_i32_0 = arith.constant 0 : i32
    %c0_i32_1 = arith.constant 0 : i32
    return %c0_i32, %c0_i32_0 : i32, i32
  }
  func.func @transform_4(%arg0: i32) -> (i32, i32, i32) {
    %c0_i32 = arith.constant 0 : i32
    %c0_i32_0 = arith.constant 0 : i32
    %c0_i32_1 = arith.constant 0 : i32
    return %arg0, %c0_i32, %c0_i32_0 : i32, i32, i32
  }
}

</mosaic_0001>

<sc_bundles>
// kernel: kernel.4.cloned.1.call-start
scs
__scs_entry_jumppad:
0x0: {  	(pc) =	sbr.rel $0x88, $3  }
0x1: {  	(tag) =	ssettag $0x0;
	lr =	simm.s32 $0x1  }
0x2: {  	[smem:$0x3F9B] =	sst lr;
	_ =	strace $0xD0000000  }
0x3: {  	_ = 	snop  }
0x4: {  	_ = 	snop  }
0x5: {  	_ = 	snop  }
0x6: {  	_ = 	snop  }
0x7: {  	_ = 	snop  }
__scs_overlays_trampoline_lowered:
0x8: {  	[smem:$0x3FAA] =	sst s0  }
0x9: {  	[smem:$0x3FAB] =	sst s1  }
0xa: {  	[smem:$0x3FAC] =	sst s2  }
0xb: {  	[smem:$0x3FAD] =	sst s3  }
0xc: {  	[smem:$0x3FAE] =	sst s4  }
0xd: {  	[smem:$0x3FAF] =	sst s5  }
0xe: {  	[smem:$0x3FB0] =	sst s6  }
0xf: {  	[smem:$0x3FB1] =	sst s7  }
0x10: {  	[smem:$0x3FB2] =	sst s8  }
0x11: {  	[smem:$0x3FB3] =	sst s9;
	s0 =	simm.s32 @!p0 $0x0  }
0x12: {  	s1 =	sld [smem:$0x3F99];
	s0 =	simm.s32 @p0 $0x1  }
0x13: {  	[smem:$0x3FB4] =	sst s0;
	s0 =	simm.s32 @!p1 $0x0  }
0x14: {  	s2 =	sld [smem:$0x3F98];
	s0 =	simm.s32 @p1 $0x1  }
0x15: {  	[smem:$0x3FB5] =	sst s0;
	s0 =	simm.s32 @!p2 $0x0  }
0x16: {  	s3 =	sld [smem:$0x3FDB];
	s0 =	simm.s32 @p2 $0x1  }
0x17: {  	s4 =	simm.s32 $0x1BF5;
	[smem:$0x3FB7] =	sst s0  }
0x18: {  	s0 =	sld [smem:$0x3F9A];
	_ =	swait.ge [sflag:s4], $0x0  }
0x19: {  	s7 =	sld [smem:$0x3F9B]  }
0x1a: {  	s8 =	sadd.s32 $0xFFFFE003, lr  }
0x1b: {  	s9 =	sadd.s32 $0xFFFFFEF7, lr;
	s5 =	simm.s32 $0xFFFFFFFF;
	p2 =	slt.u32 s8, $0xFFFFF086  }
0x1c: {  	p1 =	slt.u32 s9, $0xF7A;
	s5 =	simm.s32 @!p2 $0x0  }
0x1d: {  	s5 =	simm.s32 @p1 $0x1;
	p0 =	seq.s32 s7, s2  }
0x1e: {  	s7 =	smul.u32 @!p0 $0xF7A, s2;
	p2 =	seq.s32 @!p0 s5, $0x0  }
0x1f: {  	s9 =	smul.u32 $0xF7A, s1;
	s8 =	simm.s32 @!p0 $0x1BF5;
	p2 =	por !p2, p0  }
0x20: {  	[sflag:s8] =	ssyncset.s32 @!p0 $0xFFFFF086;
	s6 =	sadd.s32 @!p0 s3, s7;
	s7 =	simm.s32 @!p0 $0x108  }
0x21: {  	s3 =	sadd.s32 s3, s9;
	s6 =	sadd.s32 @!p0 $0x88, s6;
	s7 =	simm.s32 @p2 $0x1082  }
0x22: {  	[simem:s7], [sflag:s8] =	dma.local @!p0 [hbm:s6], $0xF7A  }
0x23: {  	s9 =	sor.u32 $0xD0000000, s2;
	s6 =	simm.s32 $0x108;
	_ =	swait.ge @!p0 [sflag:s8], $0x0  }
0x24: {  	s3 =	sadd.s32 $0x88, s3;
	s6 =	simm.s32 @!p1 $0x1082;
	[sflag:s4] =	ssyncset.s32 $0xFFFFF086  }
0x25: {  	[simem:s6], [sflag:s4] =	dma.local [hbm:s3], $0xF7A  }
0x26: {  	[smem:$0x3F9B] =	sst s1;
	(tag) =	ssettag s2;
	_ =	strace s9  }
0x27: {  	s1 =	sld [smem:$0x3FAB]  }
0x28: {  	s2 =	sld [smem:$0x3FAC]  }
0x29: {  	s4 =	sld [smem:$0x3FAE]  }
0x2a: {  	p0 =	seq.s32 s5, $0x0;
	s5 =	sld [smem:$0x3FAF]  }
0x2b: {  	s6 =	sld [smem:$0x3FB0]  }
0x2c: {  	s7 =	sld [smem:$0x3FB1]  }
0x2d: {  	s3 =	simm.s32 $0x108;
	s8 =	sld [smem:$0x3FB2]  }
0x2e: {  	s3 =	simm.s32 @!p0 $0x1082;
	s9 =	sld [smem:$0x3FB3]  }
0x2f: {  	lr =	sadd.s32 s0, s3;
	s0 =	sld [smem:$0x3FAA]  }
0x30: {  	s3 =	sld [smem:$0x3FAD]  }
0x31: {  	[smem:$0x3FB6] =	sst s10  }
0x32: {  	s10 =	sld [smem:$0x3FB4];
	_ =	sdelay $0x3  }
0x33: {  	p0 =	seq.s32 s10, $0x1;
	s10 =	sld [smem:$0x3FB6];
	_ =	sdelay $0x3  }
0x34: {  	[smem:$0x3FB6] =	sst s10  }
0x35: {  	s10 =	sld [smem:$0x3FB5];
	_ =	sdelay $0x3  }
0x36: {  	p1 =	seq.s32 s10, $0x1;
	s10 =	sld [smem:$0x3FB6];
	_ =	sdelay $0x3  }
0x37: {  	[smem:$0x3FB6] =	sst s10  }
0x38: {  	s10 =	sld [smem:$0x3FB7]  }
0x39: {  	_ = 	snop;
	(pc) =	sbr.ind lr, $3  }
0x3a: {  	_ = 	snop  }
0x3b: {  	_ = 	snop  }
0x3c: {  	p2 =	seq.s32 s10, $0x1;
	s10 =	sld [smem:$0x3FB6]  }
0x3d: {  	_ =	shalt  }
0x3e: {  	_ =	shalt  }
0x3f: {  	_ =	shalt  }
0x40: {  	_ =	shalt  }
0x41: {  	_ =	shalt  }
0x42: {  	_ =	shalt  }
0x43: {  	_ =	shalt  }
0x44: {  	_ =	shalt  }
0x45: {  	_ =	shalt  }
0x46: {  	_ =	shalt  }
0x47: {  	_ =	shalt  }
0x48: {  	_ =	shalt  }
0x49: {  	_ =	shalt  }
0x4a: {  	_ =	shalt  }
0x4b: {  	_ =	shalt  }
0x4c: {  	_ =	shalt  }
0x4d: {  	_ =	shalt  }
0x4e: {  	_ =	shalt  }
0x4f: {  	_ =	shalt  }
0x50: {  	_ =	shalt  }
0x51: {  	_ =	shalt  }
0x52: {  	_ =	shalt  }
0x53: {  	_ =	shalt  }
0x54: {  	_ =	shalt  }
0x55: {  	_ =	shalt  }
0x56: {  	_ =	shalt  }
0x57: {  	_ =	shalt  }
0x58: {  	_ =	shalt  }
0x59: {  	_ =	shalt  }
0x5a: {  	_ =	shalt  }
0x5b: {  	_ =	shalt  }
0x5c: {  	_ =	shalt  }
0x5d: {  	_ =	shalt  }
0x5e: {  	_ =	shalt  }
0x5f: {  	_ =	shalt  }
0x60: {  	_ =	shalt  }
0x61: {  	_ =	shalt  }
0x62: {  	_ =	shalt  }
0x63: {  	_ =	shalt  }
0x64: {  	_ =	shalt  }
0x65: {  	_ =	shalt  }
0x66: {  	_ =	shalt  }
0x67: {  	_ =	shalt  }
0x68: {  	_ =	shalt  }
0x69: {  	_ =	shalt  }
0x6a: {  	_ =	shalt  }
0x6b: {  	_ =	shalt  }
0x6c: {  	_ =	shalt  }
0x6d: {  	_ =	shalt  }
0x6e: {  	_ =	shalt  }
0x6f: {  	_ =	shalt  }
0x70: {  	_ =	shalt  }
0x71: {  	_ =	shalt  }
0x72: {  	_ =	shalt  }
0x73: {  	_ =	shalt  }
0x74: {  	_ =	shalt  }
0x75: {  	_ =	shalt  }
0x76: {  	_ =	shalt  }
0x77: {  	_ =	shalt  }
0x78: {  	_ =	shalt  }
0x79: {  	_ =	shalt  }
0x7a: {  	_ =	shalt  }
0x7b: {  	_ =	shalt  }
0x7c: {  	_ =	shalt  }
0x7d: {  	_ =	shalt  }
0x7e: {  	_ =	shalt  }
0x7f: {  	_ =	shalt  }
0x80: {  	_ =	shalt  }
0x81: {  	_ =	shalt  }
0x82: {  	_ =	shalt  }
0x83: {  	_ =	shalt  }
0x84: {  	_ =	shalt  }
0x85: {  	_ =	shalt  }
0x86: {  	_ =	shalt  }
0x87: {  	_ =	shalt  }
.Lfunc_end0:
.L_simem_size_0:
called_computation_lowered:
.L_overlay_start_0:
0x88: {  	s0 =	sld [smem:$0x3FD9]  }
0x89: {  	s1 =	sld [smem:$0x3FFE];
	_ =	sdelay $0x3  }
0x8a: {  	s0 =	sadd.s32 s1, s0  }
0x8b: {  	[smem:$0x3FC2] =	sst s0  }
0x8c: {  	_ = 	snop  }
0x8d: {  	s0 =	sld [smem:$0x3FD0];
	(tm) =	ssettm $0x1  }
0x8e: {  	s16 =	sld [smem:$0x3FFB];
	_ =	sdelay $0x3  }
0x8f: {  	_ =	strace s16  }
0x90: {  	s1 =	sld [smem:$0x3FFC];
	_ =	sdelay $0x3  }
0x91: {  	_ =	strace s1  }
0x92: {  	s1 =	sld [smem:$0x3FFD];
	_ =	sdelay $0x3  }
0x93: {  	_ =	strace s1  }
0x94: {  	_ =	strace $0x8FFFFFFF  }
0x95: {  	s17 =	sld [smem:$0x3FDB];
	_ =	sdelay $0x1  }
0x96: {  	s2 =	simm.s32 $_scs_section_size  }
0x97: {  	s3 =	simm.s32 $_size__tile_overlayer_lowered;
	s4 =	simm.s32 $_tile_overlayer_lowered  }
0x98: {  	s20 =	simm.s32 $0x1BFF;
	s19 =	sshll.u32 s4, $0x1;
	s1 =	sadd.s32 s2, s17  }
0x99: {  	s5 =	simm.s32 $0x0;
	s18 =	sshll.u32 s3, $0x1;
	s3 =	sadd.s32 s19, s1  }
0x9a: {  	[timem:s5], [sflag:s20] =	dma.local [hbm:s3], s18  }
0x9b: {  	_ =	swait.ge [sflag:s20], s18  }
0x9c: {  	s2 =	ssub.s32 $0x0, s18;
	[sflag:s20] =	ssyncset.done $0x0  }
0x9d: {  	[sflag:s20] =	ssyncadd.s32 s2;
	_ =	sdelay $0x1  }
0x9e: {  	s21 =	simm.s32 $0x1B8B  }
0x9f: {  	_ =	swait.ge [sflag:s21], $0x1  }
0xa0: {  	[sflag:s21] =	ssyncset.done $0x0  }
0xa1: {  	s23 =	simm.s32 $0x1B8E;
	s22 =	sld [smem:$0x3FFE];
	[sflag:s21] =	ssyncadd.s32 $0xFFFFFFFF  }
0xa2: {  	s24 =	simm.s32 $execute0_lowered;
	[smem:$0x3FD2] =	sst s23  }
0xa3: {  	s3 =	sshll.u32 s24, $0x1;
	_ =	strace $0x80000046;
	[dreg:$0x1] =	wrdreg $0xFFFFFFFF  }
0xa4: {  	s25 =	simm.s32 $_size_execute0_lowered;
	s1 =	sadd.s32 s1, s3;
	[dreg:$0x0] =	wrdreg $0x0  }
0xa5: {  	s3 =	sshll.u32 s25, $0x1;
	[dreg:$0x2] =	wrdreg s1  }
0xa6: {  	[dreg:$0x3] =	wrdreg s3  }
0xa7: {  	[dreg:$0x4] =	wrdreg $0xC0  }
0xa8: {  	_ =	task [dreg:s5], $0x5FFFF  }
0xa9: {  	[dreg:$0x1] =	wrdreg $0xFFFFFFFF  }
0xaa: {  	[dreg:$0x0] =	wrdreg $0x60  }
0xab: {  	[dreg:$0x2] =	wrdreg s22  }
0xac: {  	[dreg:$0x3] =	wrdreg s0  }
0xad: {  	[dreg:$0x4] =	wrdreg $0x84800  }
0xae: {  	[dreg:$0x5] =	wrdreg $0x9  }
0xaf: {  	_ =	task.clear_ibuf [dreg:s5], $0x6FFFF;
	_ =	strace $0x90000046  }
0xb0: {  	s26 =	simm.s32 $0x9;
	_ =	strace $0x80000048  }
0xb1: {  	_ =	swait.ge [sflag:s26], $0x1  }
0xb2: {  	[sflag:s26] =	ssyncadd.s32 $0xFFFFFFFF  }
0xb3: {  	_ =	strace $0x90000048  }
0xb4: {  	_ =	sfence  }
0xb5: {  	s28 =	sld [smem:$0x0];
	_ =	sdelay $0x1  }
0xb6: {  	s29 =	srdreg.scid  }
0xb7: {  	s30 =	sshll.u32 s29, $0xD;
	s31 =	sshrl.u32 s29, $0x2  }
0xb8: {  	s2 =	sand.u32 $0x4000, s30;
	s1 =	sand.u32 $0x1, s29;
	s0 =	sadd.s32 s31, s28  }
0xb9: {  	s1 =	sor.u32 s2, s1;
	s0 =	sshll.u32 s0, $0x11  }
0xba: {  	s0 =	sor.u32 s0, s1  }
0xbb: {  	s0 =	sadd.s32 $0x8F2B, s0  }
0xbc: {  	[sflag:s0] =	ssyncadd.remote.s32 $0x1  }
0xbd: {  	_ =	sfence.sel $0xFFFF  }
0xbe: {  	[dreg:$0x0] =	wrdreg $0xFFFFFFFF;
	(pc) =	sbr.abs _section_cstart, $3  }
0xbf: {  	[dreg:$0x1] =	wrdreg $0xFFFFFFFF  }
0xc0: {  	_ =	task.clear_ibuf [dreg:s5], $0x2FFFF;
	_ =	strace $0x9FFFFFFF  }
0xc1: {  	(tm) =	ssettm $0x7FFFFFFF  }
tec
execute0_lowered:
.L_overlay_start_1:
0x0: {  	(tag) =	ssettag $0x1  }
0x1: {  	s4 =	rddreg [dreg:$0x0];
	s0 =	stileid.u32  }
0x2: {  	s2 =	rddreg [dreg:$0x1];
	s5 =	smul.u32 $0x380, s0  }
0x3: {  	s3 =	rddreg [dreg:$0x2];
	s6 =	simm.s32 $0x0  }
0x4: {  	[smem:$0x7FF] =	sst s6;
	s4 =	sadd.s32 s5, s4  }
0x5: {  	s1 =	rddreg [dreg:$0x3];
	_ =	strace $0x80000047;
	s5 =	sadd.s32 $0x4800, s4  }
0x6: {  	[tilespmem:s6], [sflag:$0x1] =	stream.linear.gather [hbm4b:s5+s6], $0x1C00, $0x38;
	[tilespmem:$0x8880] =	vst v63  }
0x7: {  	s31 =	simm.s32 $0x1C00;
	s4 =	sadd.s32 $0x1000, s4  }
0x8: {  	[tilespmem:s31], [sflag:$0x1] =	stream.linear.gather [hbm4b:s4+s6], $0x1C00, $0x38;
	[tilespmem:$0x8880] =	vst v63  }
0x9: {  	v0 =	vimm.f32 $0.0e+00;
	s5 =	simm.s32 $0x400;
	s4 =	simm.s32 $0x0  }
.LBB2_1:
0xa: {  	p0 =	sne.s32 s5, $0xFC00;
	[tilespmem:s4+$0x38F0] =	vst v0  }
0xb: {  	[tilespmem:s4+$0x3800] =	vst v0  }
0xc: {  	[tilespmem:s4+$0x3810] =	vst v0  }
0xd: {  	[tilespmem:s4+$0x3820] =	vst v0  }
0xe: {  	[tilespmem:s4+$0x3830] =	vst v0  }
0xf: {  	[tilespmem:s4+$0x3840] =	vst v0  }
0x10: {  	[tilespmem:s4+$0x3850] =	vst v0  }
0x11: {  	[tilespmem:s4+$0x3860] =	vst v0  }
0x12: {  	[tilespmem:s4+$0x3870] =	vst v0  }
0x13: {  	[tilespmem:s4+$0x3880] =	vst v0  }
0x14: {  	[tilespmem:s4+$0x3890] =	vst v0  }
.Ltmp0:
0x15: {  	[tilespmem:s4+$0x38A0] =	vst v0;
	(pc) =	sbr.rel @p0 .LBB2_1-.Ltmp0, $4  }
0x16: {  	[tilespmem:s4+$0x38B0] =	vst v0  }
0x17: {  	[tilespmem:s4+$0x38C0] =	vst v0  }
0x18: {  	[tilespmem:s4+$0x38D0] =	vst v0  }
0x19: {  	[tilespmem:s4+$0x38E0] =	vst v0;
	s4 =	sshra.s32 s5, $0x2;
	s5 =	sadd.s32 $0x400, s5  }
0x1a: {  	[tilespmem:s4+$0x38F0] =	vst v0  }
0x1b: {  	[tilespmem:s4+$0x3800] =	vst v0  }
0x1c: {  	[tilespmem:s4+$0x3810] =	vst v0  }
0x1d: {  	[tilespmem:s4+$0x3820] =	vst v0  }
0x1e: {  	[tilespmem:s4+$0x3830] =	vst v0  }
0x1f: {  	[tilespmem:s4+$0x3840] =	vst v0  }
0x20: {  	[tilespmem:s4+$0x3850] =	vst v0  }
0x21: {  	[tilespmem:s4+$0x3860] =	vst v0  }
0x22: {  	[tilespmem:s4+$0x3870] =	vst v0  }
0x23: {  	[tilespmem:s4+$0x3880] =	vst v0  }
0x24: {  	[tilespmem:s4+$0x3890] =	vst v0  }
0x25: {  	[tilespmem:s4+$0x38A0] =	vst v0  }
0x26: {  	[tilespmem:s4+$0x38B0] =	vst v0  }
0x27: {  	[tilespmem:s4+$0x38C0] =	vst v0  }
0x28: {  	[tilespmem:s4+$0x38D0] =	vst v0  }
0x29: {  	[tilespmem:s4+$0x38E0] =	vst v0;
	s31 =	simm.s32 $0x1  }
0x2a: {  	_ =	swait.ge [sflag:s31], $0x1C00  }
0x2b: {  	[sflag:s31] =	ssyncset.done $0x0  }
0x2c: {  	[sflag:s31] =	ssyncadd.s32 $0xFFFFE400  }
0x2d: {  	_ =	swait.ge [sflag:s31], $0x1C00  }
0x2e: {  	[sflag:s31] =	ssyncset.done $0x0  }
0x2f: {  	s5 =	simm.s32 $0x0;
	[sflag:s31] =	ssyncadd.s32 $0xFFFFE400  }
0x30: {  	v2 =	vld [tilespmem:s5+$0x1C60]  }
0x31: {  	v3 =	vld [tilespmem:s5+$0x1C50]  }
0x32: {  	v1 =	vld [tilespmem:s5+$0x1C40]  }
0x33: {  	v4 =	vld [tilespmem:s5+$0x1C30]  }
0x34: {  	v5 =	vld [tilespmem:s5+$0x1C20]  }
0x35: {  	v6 =	vld [tilespmem:s5+$0x1C10]  }
0x36: {  	v7 =	vld [tilespmem:s5+$0x1C00]  }
0x37: {  	v8 =	vld [tilespmem:s5+$0x20]  }
0x38: {  	v0 =	vlaneseq.u32;
	v9 =	vld [tilespmem:s5+$0x0]  }
0x39: {  	v0 =	vmul.u32 $0x400, v0;
	v10 =	vld [tilespmem:s5+$0x10]  }
0x3a: {  	v11 =	vld [tilespmem:s5+$0x1C70]  }
0x3b: {  	v12 =	vld [tilespmem:s5+$0x30];
	v7 =	vadd.s32 v0, v7  }
0x3c: {  	v13 =	vld [tilespmem:s5+$0x40];
	v6 =	vadd.s32 v0, v6  }
0x3d: {  	v14 =	vld [tilespmem:s5+$0x50];
	v5 =	vadd.s32 v0, v5  }
0x3e: {  	v15 =	vld [tilespmem:s5+$0x60];
	v4 =	vadd.s32 v0, v4  }
0x3f: {  	s4 =	simm.s32 $0x3800;
	v16 =	vadd.s32 v0, v1;
	v1 =	vld [tilespmem:s5+$0x70]  }
0x40: {  	v3 =	vadd.s32 v0, v3;
	[tilespmem:v7+s4+$0x0] =	vst.idx.add.f32.msk $0xffff, v9  }
0x41: {  	v63 =	vadd.s32 v0, v2;
	[tilespmem:v6+s4+$0x0] =	vst.idx.add.f32.msk $0xffff, v10  }
0x42: {  	v2 =	vadd.s32 v0, v11;
	[tilespmem:v5+s4+$0x0] =	vst.idx.add.f32.msk $0xffff, v8  }
0x43: {  	[tilespmem:v4+s4+$0x0] =	vst.idx.add.f32.msk $0xffff, v12  }
0x44: {  	[tilespmem:v16+s4+$0x0] =	vst.idx.add.f32.msk $0xffff, v13  }
0x45: {  	[tilespmem:v3+s4+$0x0] =	vst.idx.add.f32.msk $0xffff, v14  }
0x46: {  	s5 =	simm.s32 $0x200;
	[tilespmem:v63+s4+$0x0] =	vst.idx.add.f32.msk $0xffff, v15  }
.LBB2_3:
0x47: {  	s6 =	sshra.s32 s5, $0x2;
	p0 =	sne.s32 s5, $0x6E00;
	s5 =	sadd.s32 $0x200, s5;
	[tilespmem:v2+s4+$0x0] =	vst.idx.add.f32.msk $0xffff, v1  }
0x48: {  	v1 =	vld [tilespmem:s6+$0x1C60]  }
0x49: {  	v2 =	vld [tilespmem:s6+$0x1C50]  }
0x4a: {  	v3 =	vld [tilespmem:s6+$0x1C40]  }
0x4b: {  	v4 =	vld [tilespmem:s6+$0x1C30]  }
0x4c: {  	v5 =	vld [tilespmem:s6+$0x1C20]  }
0x4d: {  	v6 =	vld [tilespmem:s6+$0x1C10]  }
0x4e: {  	v7 =	vld [tilespmem:s6+$0x1C00]  }
0x4f: {  	v8 =	vld [tilespmem:s6+$0x20]  }
0x50: {  	v4 =	vadd.s32 v0, v4;
	v9 =	vld [tilespmem:s6+$0x0]  }
0x51: {  	v3 =	vadd.s32 v0, v3;
	v10 =	vld [tilespmem:s6+$0x10]  }
0x52: {  	v11 =	vadd.s32 v0, v2;
	v2 =	vld [tilespmem:s6+$0x1C70]  }
0x53: {  	v12 =	vadd.s32 v0, v1;
	v6 =	vadd.s32 v0, v6;
	v7 =	vadd.s32 v0, v7;
	v13 =	vld [tilespmem:s6+$0x30]  }
0x54: {  	v5 =	vadd.s32 v0, v5;
	v14 =	vld [tilespmem:s6+$0x40]  }
0x55: {  	v15 =	vld [tilespmem:s6+$0x50]  }
0x56: {  	v16 =	vld [tilespmem:s6+$0x60]  }
0x57: {  	v2 =	vadd.s32 v0, v2;
	v1 =	vld [tilespmem:s6+$0x70]  }
0x58: {  	[tilespmem:v7+s4+$0x0] =	vst.idx.add.f32.msk $0xffff, v9  }
0x59: {  	[tilespmem:v6+s4+$0x0] =	vst.idx.add.f32.msk $0xffff, v10  }
.Ltmp1:
0x5a: {  	[tilespmem:v5+s4+$0x0] =	vst.idx.add.f32.msk $0xffff, v8;
	(pc) =	sbr.rel @p0 .LBB2_3-.Ltmp1, $4  }
0x5b: {  	[tilespmem:v4+s4+$0x0] =	vst.idx.add.f32.msk $0xffff, v13  }
0x5c: {  	[tilespmem:v3+s4+$0x0] =	vst.idx.add.f32.msk $0xffff, v14  }
0x5d: {  	[tilespmem:v11+s4+$0x0] =	vst.idx.add.f32.msk $0xffff, v15  }
0x5e: {  	[tilespmem:v12+s4+$0x0] =	vst.idx.add.f32.msk $0xffff, v16  }
0x5f: {  	_ =	sdelay $0x3  }
0x60: {  	[tilespmem:v2+s4+$0x0] =	vst.idx.add.f32.msk $0xffff, v1;
	s5 =	simm.s32 $0x0;
	s4 =	simm.s32 $0x5810  }
0x61: {  	v0 =	vld [tilespmem:s4+$0xFFFFDFF0];
	s5 =	sand.u32 $0x3E0, s5  }
0x62: {  	v1 =	vld [tilespmem:s5+$0x3C00];
	_ =	sdelay $0x1  }
0x63: {  	v2 =	vld [tilespmem:s5+$0x4000];
	_ =	sdelay $0x1  }
0x64: {  	v3 =	vld [tilespmem:s5+$0x4400]  }
0x65: {  	v0 =	vadd.f32 v1, v0  }
0x66: {  	v1 =	vld [tilespmem:s5+$0x4800]  }
0x67: {  	v0 =	vadd.f32 v2, v0  }
0x68: {  	v2 =	vld [tilespmem:s5+$0x4C00]  }
0x69: {  	v0 =	vadd.f32 v3, v0  }
0x6a: {  	v3 =	vld [tilespmem:s5+$0x5000]  }
0x6b: {  	v0 =	vadd.f32 v1, v0  }
0x6c: {  	v1 =	vld [tilespmem:s5+$0x5400]  }
0x6d: {  	v0 =	vadd.f32 v2, v0  }
0x6e: {  	v2 =	vld [tilespmem:s5+$0x5800]  }
0x6f: {  	v0 =	vadd.f32 v3, v0  }
0x70: {  	v3 =	vld [tilespmem:s5+$0x5C00]  }
0x71: {  	v0 =	vadd.f32 v1, v0  }
0x72: {  	v1 =	vld [tilespmem:s5+$0x6000]  }
0x73: {  	v0 =	vadd.f32 v2, v0  }
0x74: {  	v2 =	vld [tilespmem:s5+$0x6400]  }
0x75: {  	v0 =	vadd.f32 v3, v0  }
0x76: {  	v3 =	vld [tilespmem:s5+$0x6800]  }
0x77: {  	v0 =	vadd.f32 v1, v0  }
0x78: {  	v1 =	vld [tilespmem:s5+$0x6C00]  }
0x79: {  	v0 =	vadd.f32 v2, v0  }
0x7a: {  	v2 =	vld [tilespmem:s5+$0x7000]  }
0x7b: {  	v0 =	vadd.f32 v3, v0  }
0x7c: {  	v3 =	vld [tilespmem:s5+$0x7400]  }
0x7d: {  	v0 =	vadd.f32 v1, v0;
	_ =	sdelay $0x1  }
0x7e: {  	v0 =	vadd.f32 v2, v0;
	_ =	sdelay $0x1  }
0x7f: {  	v0 =	vadd.f32 v3, v0  }
0x80: {  	s5 =	simm.s32 $0x7810  }
0x81: {  	[tilespmem:s5+$0xFFFFFFF0] =	vst v0  }
0x82: {  	v0 =	vld [tilespmem:s4+$0xFFFFE000]  }
0x83: {  	v1 =	vld [tilespmem:s4+$0xFFFFE400];
	_ =	sdelay $0x1  }
0x84: {  	v2 =	vld [tilespmem:s4+$0xFFFFE800];
	_ =	sdelay $0x1  }
0x85: {  	v3 =	vld [tilespmem:s4+$0xFFFFEC00]  }
0x86: {  	v0 =	vadd.f32 v1, v0  }
0x87: {  	v1 =	vld [tilespmem:s4+$0xFFFFF000]  }
0x88: {  	v0 =	vadd.f32 v2, v0  }
0x89: {  	v2 =	vld [tilespmem:s4+$0xFFFFF400]  }
0x8a: {  	v0 =	vadd.f32 v3, v0  }
0x8b: {  	v3 =	vld [tilespmem:s4+$0xFFFFF800]  }
0x8c: {  	v0 =	vadd.f32 v1, v0  }
0x8d: {  	v1 =	vld [tilespmem:s4+$0xFFFFFC00]  }
0x8e: {  	v0 =	vadd.f32 v2, v0  }
0x8f: {  	v2 =	vld [tilespmem:s4+$0x0]  }
0x90: {  	v0 =	vadd.f32 v3, v0  }
0x91: {  	v3 =	vld [tilespmem:s4+$0x400]  }
0x92: {  	v0 =	vadd.f32 v1, v0  }
0x93: {  	v1 =	vld [tilespmem:s4+$0x800]  }
0x94: {  	v0 =	vadd.f32 v2, v0  }
0x95: {  	v2 =	vld [tilespmem:s4+$0xC00]  }
0x96: {  	v0 =	vadd.f32 v3, v0  }
0x97: {  	v3 =	vld [tilespmem:s4+$0x1000]  }
0x98: {  	v0 =	vadd.f32 v1, v0  }
0x99: {  	v1 =	vld [tilespmem:s4+$0x1400]  }
0x9a: {  	v0 =	vadd.f32 v2, v0  }
0x9b: {  	v2 =	vld [tilespmem:s4+$0x1800]  }
0x9c: {  	v0 =	vadd.f32 v3, v0  }
0x9d: {  	v3 =	vld [tilespmem:s4+$0x1C00]  }
0x9e: {  	v0 =	vadd.f32 v1, v0;
	_ =	sdelay $0x1  }
0x9f: {  	v0 =	vadd.f32 v2, v0;
	_ =	sdelay $0x1  }
0xa0: {  	s7 =	simm.s32 $0x20;
	s6 =	simm.s32 $0x7810;
	v0 =	vadd.f32 v3, v0  }
.LBB2_5:
0xa1: {  	p0 =	sne.s32 s7, $0x3E0;
	s5 =	sadd.s32 $0x20, s5;
	s4 =	sadd.s32 $0x20, s4  }
0xa2: {  	s8 =	smov.u32 s7;
	s7 =	sadd.s32 $0x20, s7;
	[tilespmem:s6+$0x0] =	vst v0;
	s6 =	smov.u32 s5  }
0xa3: {  	s8 =	sand.u32 $0x3E0, s8;
	v0 =	vld [tilespmem:s4+$0xFFFFDFF0]  }
0xa4: {  	v1 =	vld [tilespmem:s8+$0x3C00];
	_ =	sdelay $0x1  }
0xa5: {  	v2 =	vld [tilespmem:s8+$0x4000];
	_ =	sdelay $0x1  }
0xa6: {  	v3 =	vld [tilespmem:s8+$0x4400]  }
0xa7: {  	v0 =	vadd.f32 v1, v0  }
0xa8: {  	v1 =	vld [tilespmem:s8+$0x4800]  }
0xa9: {  	v0 =	vadd.f32 v2, v0  }
0xaa: {  	v2 =	vld [tilespmem:s8+$0x4C00]  }
0xab: {  	v0 =	vadd.f32 v3, v0  }
0xac: {  	v3 =	vld [tilespmem:s8+$0x5000]  }
0xad: {  	v0 =	vadd.f32 v1, v0  }
0xae: {  	v1 =	vld [tilespmem:s8+$0x5400]  }
0xaf: {  	v0 =	vadd.f32 v2, v0  }
0xb0: {  	v2 =	vld [tilespmem:s8+$0x5800]  }
0xb1: {  	v0 =	vadd.f32 v3, v0  }
0xb2: {  	v3 =	vld [tilespmem:s8+$0x5C00]  }
0xb3: {  	v0 =	vadd.f32 v1, v0  }
0xb4: {  	v1 =	vld [tilespmem:s8+$0x6000]  }
0xb5: {  	v0 =	vadd.f32 v2, v0  }
0xb6: {  	v2 =	vld [tilespmem:s8+$0x6400]  }
0xb7: {  	v0 =	vadd.f32 v3, v0  }
0xb8: {  	v3 =	vld [tilespmem:s8+$0x6800]  }
0xb9: {  	v0 =	vadd.f32 v1, v0  }
0xba: {  	v1 =	vld [tilespmem:s8+$0x6C00]  }
0xbb: {  	v0 =	vadd.f32 v2, v0  }
0xbc: {  	v2 =	vld [tilespmem:s8+$0x7000]  }
0xbd: {  	v0 =	vadd.f32 v3, v0  }
0xbe: {  	v3 =	vld [tilespmem:s8+$0x7400]  }
0xbf: {  	v0 =	vadd.f32 v1, v0;
	_ =	sdelay $0x1  }
0xc0: {  	v0 =	vadd.f32 v2, v0;
	_ =	sdelay $0x1  }
0xc1: {  	v0 =	vadd.f32 v3, v0;
	_ =	sdelay $0x1  }
0xc2: {  	[tilespmem:s5+$0xFFFFFFF0] =	vst v0  }
0xc3: {  	v0 =	vld [tilespmem:s4+$0xFFFFE000]  }
0xc4: {  	v1 =	vld [tilespmem:s4+$0xFFFFE400]  }
0xc5: {  	v2 =	vld [tilespmem:s4+$0xFFFFE800];
	_ =	sdelay $0x1  }
0xc6: {  	v3 =	vld [tilespmem:s4+$0xFFFFEC00];
	_ =	sdelay $0x1  }
0xc7: {  	v0 =	vadd.f32 v1, v0;
	v1 =	vld [tilespmem:s4+$0xFFFFF000];
	_ =	sdelay $0x1  }
0xc8: {  	v0 =	vadd.f32 v2, v0;
	v2 =	vld [tilespmem:s4+$0xFFFFF400];
	_ =	sdelay $0x1  }
0xc9: {  	v0 =	vadd.f32 v3, v0;
	v3 =	vld [tilespmem:s4+$0xFFFFF800];
	_ =	sdelay $0x1  }
0xca: {  	v0 =	vadd.f32 v1, v0;
	v1 =	vld [tilespmem:s4+$0xFFFFFC00];
	_ =	sdelay $0x1  }
0xcb: {  	v0 =	vadd.f32 v2, v0;
	v2 =	vld [tilespmem:s4+$0x0];
	_ =	sdelay $0x1  }
0xcc: {  	v0 =	vadd.f32 v3, v0;
	v3 =	vld [tilespmem:s4+$0x400];
	_ =	sdelay $0x1  }
0xcd: {  	v0 =	vadd.f32 v1, v0;
	v1 =	vld [tilespmem:s4+$0x800];
	_ =	sdelay $0x1  }
0xce: {  	v0 =	vadd.f32 v2, v0;
	v2 =	vld [tilespmem:s4+$0xC00];
	_ =	sdelay $0x1  }
0xcf: {  	v0 =	vadd.f32 v3, v0;
	v3 =	vld [tilespmem:s4+$0x1000];
	_ =	sdelay $0x1  }
0xd0: {  	v0 =	vadd.f32 v1, v0;
	v1 =	vld [tilespmem:s4+$0x1400];
	_ =	sdelay $0x1  }
0xd1: {  	v0 =	vadd.f32 v2, v0;
	v2 =	vld [tilespmem:s4+$0x1800];
	_ =	sdelay $0x1  }
0xd2: {  	v0 =	vadd.f32 v3, v0;
	v3 =	vld [tilespmem:s4+$0x1C00];
	_ =	sdelay $0x1  }
.Ltmp2:
0xd3: {  	v0 =	vadd.f32 v1, v0;
	(pc) =	sbr.rel @p0 .LBB2_5-.Ltmp2, $3  }
0xd4: {  	_ = 	snop  }
0xd5: {  	v0 =	vadd.f32 v2, v0;
	_ =	sdelay $0x1  }
0xd6: {  	v0 =	vadd.f32 v3, v0  }
0xd7: {  	s5 =	sshll.u32 s0, $0xA  }
0xd8: {  	s7 =	sshll.u32 s0, $0x7;
	s4 =	sand.u32 $0x2000, s5  }
0xd9: {  	s31 =	simm.s32 $0x80;
	s7 =	sand.u32 $0x380, s7;
	s4 =	sadd.s32 s4, s3  }
0xda: {  	s8 =	simm.s32 $0x7800;
	[tilespmem:s6+$0x0] =	vst v0;
	s6 =	simm.s32 $0x400;
	s4 =	sadd.s32 s7, s4  }
0xdb: {  	[spmem:s4] =	stream.strided.scatter [tilespmem:s8], [sflag:$0x2], $0x400, s6, s31, $0x38;
	[tilespmem:$0x8880] =	vst v63  }
0xdc: {  	p0 =	sgt.u32 s0, $0x7;
	s4 =	simm.s32 $0x2  }
.Ltmp3:
0xdd: {  	_ =	swait.ge [sflag:s4], $0x400;
	(pc) =	sbr.rel @p0 .LBB2_8-.Ltmp3, $3  }
0xde: {  	[sflag:s4] =	ssyncset.done $0x0  }
0xdf: {  	[sflag:s4] =	ssyncadd.s32 $0xFFFFFC00  }
0xe0: {  	[bflag:$0x0] =	sbarrier.arrive $0xFFFF;
	_ =	sdelay $0x1  }
0xe1: {  	s3 =	sadd.s32 s5, s3;
	s28 =	simm.s32 $0x2000;
	s7 =	simm.s32 $0x7C00  }
0xe2: {  	[tilespmem:s7], [sflag:$0x2] =	stream.strided.gather [spmem:s3], $0x800, s28, s6, $0x38;
	[tilespmem:$0x8880] =	vst v63  }
0xe3: {  	_ =	swait.ge [sflag:s4], $0x800  }
0xe4: {  	[sflag:s4] =	ssyncset.done $0x0  }
0xe5: {  	[sflag:s4] =	ssyncadd.s32 $0xFFFFF800  }
0xe6: {  	v0 =	vld [tilespmem:$0x7C00]  }
0xe7: {  	v1 =	vld [tilespmem:$0x7C80]  }
0xe8: {  	v2 =	vld [tilespmem:$0x7D00]  }
0xe9: {  	v3 =	vld [tilespmem:$0x7D80]  }
0xea: {  	v9 =	vld [tilespmem:$0x7E00]  }
0xeb: {  	v10 =	vld [tilespmem:$0x7E80]  }
0xec: {  	v11 =	vld [tilespmem:$0x7F00]  }
0xed: {  	v12 =	vld [tilespmem:$0x7F80]  }
0xee: {  	v14 =	vld [tilespmem:$0x8000]  }
0xef: {  	v16 =	vld [tilespmem:$0x8080]  }
0xf0: {  	v18 =	vld [tilespmem:$0x8100]  }
0xf1: {  	v4 =	vld [tilespmem:$0x8180]  }
0xf2: {  	v44 =	vld [tilespmem:$0x8200]  }
0xf3: {  	v45 =	vld [tilespmem:$0x8280]  }
0xf4: {  	v46 =	vld [tilespmem:$0x8300]  }
0xf5: {  	v47 =	vld [tilespmem:$0x8380]  }
0xf6: {  	v5 =	vld [tilespmem:$0x7C10]  }
0xf7: {  	v7 =	vld [tilespmem:$0x7C90]  }
0xf8: {  	v19 =	vld [tilespmem:$0x7D10]  }
0xf9: {  	v20 =	vld [tilespmem:$0x7D90]  }
0xfa: {  	v21 =	vld [tilespmem:$0x7E10]  }
0xfb: {  	v22 =	vld [tilespmem:$0x7E90]  }
0xfc: {  	v23 =	vld [tilespmem:$0x7F10]  }
0xfd: {  	v24 =	vld [tilespmem:$0x7F90]  }
0xfe: {  	v25 =	vld [tilespmem:$0x8010]  }
0xff: {  	v26 =	vld [tilespmem:$0x8090]  }
0x100: {  	v27 =	vld [tilespmem:$0x8110]  }
0x101: {  	v28 =	vld [tilespmem:$0x8190]  }
0x102: {  	v29 =	vld [tilespmem:$0x8210]  }
0x103: {  	v31 =	vld [tilespmem:$0x8290]  }
0x104: {  	v48 =	vld [tilespmem:$0x8310]  }
0x105: {  	v49 =	vld [tilespmem:$0x8390]  }
0x106: {  	v8 =	vld [tilespmem:$0x7C20]  }
0x107: {  	v33 =	vld [tilespmem:$0x7CA0]  }
0x108: {  	v34 =	vld [tilespmem:$0x7D20]  }
0x109: {  	v35 =	vld [tilespmem:$0x7DA0]  }
0x10a: {  	v36 =	vld [tilespmem:$0x7E20]  }
0x10b: {  	v37 =	vld [tilespmem:$0x7EA0]  }
0x10c: {  	v38 =	vld [tilespmem:$0x7F20]  }
0x10d: {  	v39 =	vld [tilespmem:$0x7FA0]  }
0x10e: {  	v40 =	vld [tilespmem:$0x8020]  }
0x10f: {  	v41 =	vld [tilespmem:$0x80A0]  }
0x110: {  	v42 =	vld [tilespmem:$0x8120]  }
0x111: {  	v43 =	vld [tilespmem:$0x81A0]  }
0x112: {  	v50 =	vld [tilespmem:$0x7D30]  }
0x113: {  	v51 =	vld [tilespmem:$0x7DB0]  }
0x114: {  	v52 =	vld [tilespmem:$0x7E30]  }
0x115: {  	v53 =	vld [tilespmem:$0x7EB0]  }
0x116: {  	v54 =	vld [tilespmem:$0x7F30]  }
0x117: {  	v55 =	vld [tilespmem:$0x7FB0]  }
0x118: {  	v56 =	vld [tilespmem:$0x8030]  }
0x119: {  	v57 =	vld [tilespmem:$0x80B0]  }
0x11a: {  	v58 =	vld [tilespmem:$0x8130]  }
0x11b: {  	v59 =	vld [tilespmem:$0x81B0]  }
0x11c: {  	v60 =	vld [tilespmem:$0x8230]  }
0x11d: {  	v61 =	vld [tilespmem:$0x82B0]  }
0x11e: {  	v62 =	vld [tilespmem:$0x8330]  }
0x11f: {  	v63 =	vld [tilespmem:$0x83B0]  }
0x120: {  	v6 =	vld [tilespmem:$0x7C40]  }
0x121: {  	v13 =	vld [tilespmem:$0x7D40]  }
0x122: {  	v15 =	vld [tilespmem:$0x7DC0]  }
0x123: {  	v17 =	vld [tilespmem:$0x7E40]  }
0x124: {  	v30 =	vld [tilespmem:$0x7EC0]  }
0x125: {  	v32 =	vld [tilespmem:$0x7F40]  }
0x126: {  	[tilespmem:$0x1FF90] =	vst v44;
	v44 =	vld [tilespmem:$0x8220]  }
0x127: {  	[tilespmem:$0x1FFA0] =	vst v45;
	v45 =	vld [tilespmem:$0x82A0]  }
0x128: {  	[tilespmem:$0x1FFB0] =	vst v46;
	v46 =	vld [tilespmem:$0x8320]  }
0x129: {  	[tilespmem:$0x1FFD0] =	vst v47;
	v47 =	vld [tilespmem:$0x83A0]  }
0x12a: {  	[tilespmem:$0x1FFC0] =	vst v48;
	v48 =	vld [tilespmem:$0x7C30]  }
0x12b: {  	[tilespmem:$0x1FFE0] =	vst v49;
	v49 =	vld [tilespmem:$0x7CB0]  }
0x12c: {  	[tilespmem:$0x1FF80] =	vst v4;
	v4 =	vld [tilespmem:$0x7CC0]  }
0x12d: {  	v0 =	vadd.f32 v1, v0;
	v1 =	vld [tilespmem:$0x7FC0]  }
0x12e: {  	v5 =	vadd.f32 v7, v5;
	v7 =	vld [tilespmem:$0x8040]  }
0x12f: {  	[tilespmem:$0x1FFF0] =	vst v32;
	v32 =	vld [tilespmem:$0x81D0]  }
0x130: {  	v0 =	vadd.f32 v2, v0;
	v2 =	vadd.f32 v33, v8;
	v8 =	vld [tilespmem:$0x80C0]  }
0x131: {  	v33 =	vadd.f32 v19, v5;
	v19 =	vld [tilespmem:$0x8140]  }
0x132: {  	v5 =	vld [tilespmem:$0x81C0]  }
0x133: {  	v0 =	vadd.f32 v3, v0;
	v3 =	vld [tilespmem:$0x8240]  }
0x134: {  	v2 =	vadd.f32 v34, v2;
	v20 =	vadd.f32 v20, v33;
	v33 =	vld [tilespmem:$0x7CD0]  }
0x135: {  	v48 =	vadd.f32 v49, v48;
	v49 =	vld [tilespmem:$0x1FFC0]  }
0x136: {  	v34 =	vadd.f32 v35, v2;
	v2 =	vld [tilespmem:$0x82C0]  }
0x137: {  	v0 =	vadd.f32 v9, v0;
	v9 =	vld [tilespmem:$0x8340]  }
0x138: {  	v35 =	vld [tilespmem:$0x83D0]  }
0x139: {  	v20 =	vadd.f32 v21, v20;
	v50 =	vadd.f32 v50, v48;
	v48 =	vld [tilespmem:$0x7CE0]  }
0x13a: {  	v10 =	vadd.f32 v10, v0;
	v0 =	vld [tilespmem:$0x83C0]  }
0x13b: {  	v4 =	vadd.f32 v4, v6;
	v20 =	vadd.f32 v22, v20;
	v22 =	vld [tilespmem:$0x7C50]  }
0x13c: {  	v36 =	vadd.f32 v36, v34;
	v34 =	vld [tilespmem:$0x82D0]  }
0x13d: {  	v4 =	vadd.f32 v13, v4;
	v51 =	vadd.f32 v51, v50;
	v50 =	vld [tilespmem:$0x7C70]  }
0x13e: {  	v20 =	vadd.f32 v23, v20;
	v23 =	vld [tilespmem:$0x7D50]  }
0x13f: {  	v4 =	vadd.f32 v15, v4;
	v37 =	vadd.f32 v37, v36;
	v36 =	vld [tilespmem:$0x7F70]  }
0x140: {  	v10 =	vadd.f32 v11, v10;
	v21 =	vadd.f32 v52, v51;
	v51 =	vld [tilespmem:$0x1FFD0]  }
0x141: {  	v52 =	vld [tilespmem:$0x7CF0]  }
0x142: {  	v4 =	vadd.f32 v17, v4;
	v10 =	vadd.f32 v12, v10;
	v12 =	vld [tilespmem:$0x7DD0]  }
0x143: {  	v11 =	vadd.f32 v38, v37;
	v20 =	vadd.f32 v24, v20;
	v24 =	vld [tilespmem:$0x7E50]  }
0x144: {  	v37 =	vld [tilespmem:$0x7FE0];
	v21 =	vadd.f32 v53, v21;
	v22 =	vadd.f32 v33, v22  }
0x145: {  	v38 =	vld [tilespmem:$0x1FFF0];
	v4 =	vadd.f32 v30, v4;
	v10 =	vadd.f32 v14, v10  }
0x146: {  	v53 =	vld [tilespmem:$0x1FFE0];
	v11 =	vadd.f32 v39, v11;
	v20 =	vadd.f32 v25, v20  }
0x147: {  	v33 =	vld [tilespmem:$0x7F60];
	v21 =	vadd.f32 v54, v21;
	v22 =	vadd.f32 v23, v22  }
0x148: {  	v14 =	vld [tilespmem:$0x7ED0];
	v10 =	vadd.f32 v16, v10;
	v11 =	vadd.f32 v40, v11  }
0x149: {  	v25 =	vld [tilespmem:$0x7F50];
	v20 =	vadd.f32 v26, v20;
	v21 =	vadd.f32 v55, v21  }
0x14a: {  	v39 =	vld [tilespmem:$0x7FF0];
	v12 =	vadd.f32 v12, v22;
	v4 =	vadd.f32 v38, v4  }
0x14b: {  	v40 =	vld [tilespmem:$0x1FF80];
	v10 =	vadd.f32 v18, v10;
	v21 =	vadd.f32 v56, v21  }
0x14c: {  	v54 =	vld [tilespmem:$0x7D60];
	v11 =	vadd.f32 v41, v11;
	v20 =	vadd.f32 v27, v20  }
0x14d: {  	v16 =	vld [tilespmem:$0x7FD0];
	v12 =	vadd.f32 v24, v12;
	v21 =	vadd.f32 v57, v21  }
0x14e: {  	v41 =	vld [tilespmem:$0x1FF90];
	v1 =	vadd.f32 v1, v4;
	v11 =	vadd.f32 v42, v11  }
0x14f: {  	v26 =	vld [tilespmem:$0x8050];
	v20 =	vadd.f32 v28, v20;
	v21 =	vadd.f32 v58, v21  }
0x150: {  	v10 =	vadd.f32 v40, v10;
	v11 =	vadd.f32 v43, v11;
	v43 =	vld [tilespmem:$0x7C60]  }
0x151: {  	v55 =	vld [tilespmem:$0x7D70];
	v12 =	vadd.f32 v14, v12;
	v21 =	vadd.f32 v59, v21  }
0x152: {  	v18 =	vld [tilespmem:$0x80D0];
	v1 =	vadd.f32 v7, v1;
	v20 =	vadd.f32 v29, v20  }
0x153: {  	v56 =	vld [tilespmem:$0x7DE0];
	v10 =	vadd.f32 v41, v10;
	v21 =	vadd.f32 v60, v21  }
0x154: {  	v42 =	vld [tilespmem:$0x1FFA0];
	v12 =	vadd.f32 v25, v12;
	v1 =	vadd.f32 v8, v1  }
0x155: {  	v58 =	vld [tilespmem:$0x7DF0];
	v57 =	vadd.f32 v48, v43;
	v21 =	vadd.f32 v61, v21  }
0x156: {  	v11 =	vadd.f32 v44, v11;
	v59 =	vadd.f32 v52, v50;
	v60 =	vld [tilespmem:$0x7E60]  }
0x157: {  	v13 =	vadd.f32 v54, v57;
	v61 =	vld [tilespmem:$0x7E70];
	v21 =	vadd.f32 v62, v21  }
0x158: {  	v20 =	vadd.f32 v31, v20;
	v6 =	vadd.f32 v55, v59;
	v62 =	vld [tilespmem:$0x7EE0]  }
0x159: {  	v13 =	vadd.f32 v56, v13;
	v21 =	vadd.f32 v63, v21;
	v63 =	vld [tilespmem:$0x7EF0]  }
0x15a: {  	v27 =	vld [tilespmem:$0x8150];
	v10 =	vadd.f32 v42, v10;
	v6 =	vadd.f32 v58, v6  }
0x15b: {  	v28 =	vld [tilespmem:$0x8250];
	v12 =	vadd.f32 v16, v12;
	v13 =	vadd.f32 v60, v13  }
0x15c: {  	v44 =	vld [tilespmem:$0x1FFB0];
	v1 =	vadd.f32 v19, v1;
	v6 =	vadd.f32 v61, v6  }
0x15d: {  	v40 =	vld [tilespmem:$0x8060];
	v11 =	vadd.f32 v45, v11;
	v13 =	vadd.f32 v62, v13  }
0x15e: {  	v29 =	vld [tilespmem:$0x8350];
	v20 =	vadd.f32 v49, v20;
	v6 =	vadd.f32 v63, v6  }
0x15f: {  	v42 =	vld [tilespmem:$0x8070];
	v12 =	vadd.f32 v26, v12;
	v41 =	vadd.f32 v33, v13  }
0x160: {  	v43 =	vld [tilespmem:$0x80E0];
	v1 =	vadd.f32 v5, v1;
	v6 =	vadd.f32 v36, v6  }
0x161: {  	v10 =	vadd.f32 v44, v10;
	v44 =	vld [tilespmem:$0x80F0];
	v4 =	vadd.f32 v37, v41  }
0x162: {  	v45 =	vld [tilespmem:$0x8160];
	v11 =	vadd.f32 v46, v11;
	v6 =	vadd.f32 v39, v6  }
0x163: {  	v46 =	vld [tilespmem:$0x8170];
	v12 =	vadd.f32 v18, v12;
	v4 =	vadd.f32 v40, v4  }
0x164: {  	v11 =	vadd.f32 v47, v11;
	v47 =	vld [tilespmem:$0x81E0];
	v6 =	vadd.f32 v42, v6  }
0x165: {  	v48 =	vld [tilespmem:$0x81F0];
	v20 =	vadd.f32 v53, v20;
	v4 =	vadd.f32 v43, v4  }
0x166: {  	v49 =	vld [tilespmem:$0x8260];
	v12 =	vadd.f32 v27, v12;
	v6 =	vadd.f32 v44, v6  }
0x167: {  	v50 =	vld [tilespmem:$0x8270];
	v10 =	vadd.f32 v51, v10;
	v4 =	vadd.f32 v45, v4  }
0x168: {  	v51 =	vld [tilespmem:$0x82E0];
	v12 =	vadd.f32 v32, v12;
	v6 =	vadd.f32 v46, v6  }
0x169: {  	v53 =	vld [tilespmem:$0x82F0];
	v1 =	vadd.f32 v3, v1;
	v52 =	vadd.f32 v47, v4  }
0x16a: {  	v54 =	vld [tilespmem:$0x8360];
	v12 =	vadd.f32 v28, v12;
	v6 =	vadd.f32 v48, v6  }
0x16b: {  	v1 =	vadd.f32 v2, v1;
	v56 =	vld [tilespmem:$0x8370];
	v55 =	vadd.f32 v49, v52  }
0x16c: {  	v58 =	vld [tilespmem:$0x83E0];
	v57 =	vadd.f32 v34, v12;
	v5 =	vadd.f32 v50, v6  }
0x16d: {  	v59 =	vld [tilespmem:$0x83F0];
	[tilespmem:$0x8410] =	vst v20;
	v1 =	vadd.f32 v9, v1;
	v2 =	vadd.f32 v51, v55  }
0x16e: {  	[tilespmem:$0x8420] =	vst v11;
	v7 =	vadd.f32 v29, v57;
	v4 =	vadd.f32 v53, v5  }
0x16f: {  	[tilespmem:$0x8400] =	vst v10;
	v0 =	vadd.f32 v0, v1;
	v60 =	vadd.f32 v54, v2  }
0x170: {  	[tilespmem:$0x8430] =	vst v21;
	v61 =	vadd.f32 v35, v7;
	v3 =	vadd.f32 v56, v4  }
0x171: {  	[tilespmem:$0x8440] =	vst v0;
	v62 =	vadd.f32 v58, v60  }
0x172: {  	[tilespmem:$0x8450] =	vst v61;
	v63 =	vadd.f32 v59, v3  }
0x173: {  	s29 =	sshll.u32 s0, $0x4;
	[tilespmem:$0x8460] =	vst v62  }
0x174: {  	s30 =	simm.s32 $0x0;
	s31 =	simm.s32 $0x8400;
	s2 =	sadd.s32 s2, s29;
	[tilespmem:$0x8470] =	vst v63  }
0x175: {  	[hbm4b:s2+s30] =	stream.linear.scatter [tilespmem:s31], [sflag:$0x2], $0x80, $0x38;
	[tilespmem:$0x8880] =	vst v63  }
0x176: {  	_ =	swait.ge [sflag:s4], $0x80  }
0x177: {  	[sflag:s4] =	ssyncset.done $0x0  }
0x178: {  	[sflag:s4] =	ssyncadd.s32 $0xFFFFFF80  }
.LBB2_8:
0x179: {  	_ =	sfence.sel $0x180000  }
0x17a: {  	[bflag:$0x0] =	sbarrier.arrive $0xFFFF  }
0x17b: {  	p0 =	sne.s32 s0, $0x0;
	_ =	strace $0x90000047  }
0x17c: {  	s0 =	sadd.s32 @!p0 $0x100000, s1;
	[bflag:$0x2] =	sbarrier.arrive $0xFFFF  }
0x17d: {  	[sflag:s0] =	ssyncadd.tile.s32 @!p0 $0x1;
	_ =	shalt  }
.Lfunc_end2:
_tile_overlayer_lowered:
.L_overlay_start_2:
0x17e: {  	(tag) =	ssettag $0x2  }
0x17f: {  	s0 =	rddreg [dreg:$0x0];
	s2 =	stileid.u32  }
0x180: {  	s1 =	rddreg [dreg:$0x1];
	p0 =	sne.s32 s2, $0x0  }
0x181: {  	s3 =	rddreg [dreg:$0x2];
	[bflag:$0x3] =	sbarrier.arrive $0xFFFF;
	s2 =	simm.s32 @!p0 $0x1C02  }
0x182: {  	[timem:s3], [sflag:s2] =	dma.local @!p0 [hbm:s0], s1  }
0x183: {  	s0 =	simm.s32 @!p0 $0x2  }
0x184: {  	_ =	swait.ge @!p0 [sflag:s0], s1  }
0x185: {  	s1 =	ssub.s32 @!p0 $0x0, s1;
	[sflag:s0] =	ssyncset.done @!p0 $0x0  }
0x186: {  	[sflag:s0] =	ssyncadd.s32 @!p0 s1  }
0x187: {  	[bflag:$0x3] =	sbarrier.arrive $0xFFFF  }
0x188: {  	_ =	shalt  }

</sc_bundles>
